<compile_context>
chip_gen: v7x
topology: tpu7x:2x2x1
jax: 0.10.2.dev20260603
libtpu: 0.0.44.dev20260713+nightly
codegen_flags: <defaults>
</compile_context>

<pallas_src>
import functools

import jax
import jax.numpy as jnp
from jax import lax
from jax.experimental import pallas as pl
from jax.experimental.pallas import tpu as pltpu
from jax.experimental.pallas import tpu_sc as plsc

BATCH = 4
SEQ = 8192
D = 1024
NW = 32
SEQ_PER_W = SEQ // NW
R = 16
CD = R * D
CHUNKS = SEQ_PER_W // R
STEPS_PER_PAIR = 2 * BATCH
PAIRS = CHUNKS // 2
NBX = 4


def _sc_body(x_hbm, pos_hbm, out_hbm,
             bx0, bx1, bx2, bx3, bp0, bp1,
             sx0, sx1, sx2, sx3, so0, so1, so2, so3, sp0, sp1):
    cid = lax.axis_index("c")
    sid = lax.axis_index("s")
    wid = sid * 2 + cid
    seq_base = wid * SEQ_PER_W

    bx = (bx0, bx1, bx2, bx3)
    bp = (bp0, bp1)
    sx = (sx0, sx1, sx2, sx3)
    so = (so0, so1, so2, so3)
    sp = (sp0, sp1)

    def seq0(ci):
        return seq_base + ci * R

    def issue_load_x(ci, b, p):
        pltpu.async_copy(x_hbm.at[b, pl.ds(seq0(ci), R)], bx[p], sx[p])

    def wait_x(p):
        pltpu.make_async_copy(x_hbm.at[0, pl.ds(0, R)], bx[p], sx[p]).wait()

    def issue_load_pos(ci, q):
        pltpu.async_copy(pos_hbm.at[pl.ds(seq0(ci), R)], bp[q], sp[q])

    def wait_pos(q):
        pltpu.make_async_copy(pos_hbm.at[pl.ds(0, R)], bp[q], sp[q]).wait()

    def issue_store(ci, b, p):
        pltpu.async_copy(bx[p], out_hbm.at[b, pl.ds(seq0(ci), R)], so[p])

    def wait_store(p):
        pltpu.make_async_copy(bx[p], out_hbm.at[0, pl.ds(0, R)], so[p]).wait()

    issue_load_pos(0, 0)
    issue_load_pos(1, 1)
    issue_load_x(0, 0, 0)
    issue_load_x(0, 1, 1)

    def pair_body(t, _):
        for k in range(STEPS_PER_PAIR):
            ci = 2 * t + (k // BATCH)
            b = k % BATCH
            p = k % NBX
            q = k // BATCH

            wait_x(p)
            if b == 0:
                wait_pos(q)

            p2 = (k - 2) % NBX
            if k >= 2:
                wait_store(p2)
            else:
                @pl.when(t > 0)
                def _w():
                    wait_store(p2)

            kk = k + 2
            if kk < STEPS_PER_PAIR:
                issue_load_x(2 * t + kk // BATCH, kk % BATCH, p2)
            else:
                kk -= STEPS_PER_PAIR

                @pl.when(t < PAIRS - 1)
                def _l():
                    issue_load_x(2 * (t + 1) + kk // BATCH, kk % BATCH, p2)

            bxp, bpq = bx[p], bp[q]

            @plsc.parallel_loop(0, CD, step=16, unroll=8)
            def _add(i):
                r = i >> 10
                col = pl.multiple_of(i & (D - 1), 16)
                plsc.addupdate(bxp.at[r, pl.ds(col, 16)],
                               bpq[r, pl.ds(col, 16)])

            issue_store(ci, b, p)

            if b == BATCH - 1:
                @pl.when(t < PAIRS - 1)
                def _lp():
                    issue_load_pos(2 * t + 2 + q, q)
        return 0

    lax.fori_loop(0, PAIRS, pair_body, 0)
    wait_store(2)
    wait_store(3)


_pos_add = functools.partial(
    pl.kernel,
    out_type=jax.ShapeDtypeStruct((BATCH, SEQ, D), jnp.float32),
    mesh=plsc.VectorSubcoreMesh(core_axis_name="c", subcore_axis_name="s"),
    scratch_types=[
        pltpu.VMEM((R, D), jnp.float32),
        pltpu.VMEM((R, D), jnp.float32),
        pltpu.VMEM((R, D), jnp.float32),
        pltpu.VMEM((R, D), jnp.float32),
        pltpu.VMEM((R, D), jnp.float32),
        pltpu.VMEM((R, D), jnp.float32),
        pltpu.SemaphoreType.DMA,
        pltpu.SemaphoreType.DMA,
        pltpu.SemaphoreType.DMA,
        pltpu.SemaphoreType.DMA,
        pltpu.SemaphoreType.DMA,
        pltpu.SemaphoreType.DMA,
        pltpu.SemaphoreType.DMA,
        pltpu.SemaphoreType.DMA,
        pltpu.SemaphoreType.DMA,
        pltpu.SemaphoreType.DMA,
    ],
)(_sc_body)


@jax.jit
def kernel(x, pos_embedding):
    return _pos_add(x, pos_embedding)

# --- scband reference (transcript-rebuilt; emitter-appended) ---
"""Pipeline reference for scband-learned-positional-embedding-84370337563085 (READ-ONLY COPY).

The authoritative reference and input builder live on the scoring server;
editing this copy changes nothing except your own understanding.
"""

import jax, jax.numpy as jnp
import numpy as np

MAX_SEQ_LEN = 8192
D_MODEL = 1024

def setup_inputs(seed: int = 0) -> dict:
    key = jax.random.key(seed)
    k1, k2 = jax.random.split(key)
    x = jax.random.normal(k1, (4, 8192, 1024), dtype=jnp.float32)
    pos_embedding = jax.random.normal(k2, (MAX_SEQ_LEN, D_MODEL), dtype=jnp.float32) * 0.02
    return {"x": x, "pos_embedding": pos_embedding}

def reference(x, pos_embedding):
    seq_len = x.shape[1]
    positions = jnp.arange(seq_len)
    pos_emb = jnp.take(pos_embedding, positions, axis=0)
    return x + pos_emb

if __name__ == "__main__":
    import jax
    _d = setup_inputs()
    print(jax.jit(kernel)(*tuple(_d.values())))

</pallas_src>

<mosaic_0001>
#map = affine_map<(d0, d1) -> (0, 0, 0)>
#map1 = affine_map<(d0, d1) -> (0, 0)>
module attributes {stable_mosaic.version = 14 : i64} {
  func.func @_sc_body(%arg0: i32, %arg1: i32, %arg2: memref<4x8192x1024xf32, #tpu.memory_space<hbm>>, %arg3: memref<8192x1024xf32, #tpu.memory_space<hbm>>, %arg4: memref<4x8192x1024xf32, #tpu.memory_space<hbm>>, %arg5: memref<16x1024xf32, #tpu.memory_space<vmem>>, %arg6: memref<16x1024xf32, #tpu.memory_space<vmem>>, %arg7: memref<16x1024xf32, #tpu.memory_space<vmem>>, %arg8: memref<16x1024xf32, #tpu.memory_space<vmem>>, %arg9: memref<16x1024xf32, #tpu.memory_space<vmem>>, %arg10: memref<16x1024xf32, #tpu.memory_space<vmem>>, %arg11: memref<!tpu.dma_semaphore, #tpu.memory_space<semaphore_mem>>, %arg12: memref<!tpu.dma_semaphore, #tpu.memory_space<semaphore_mem>>, %arg13: memref<!tpu.dma_semaphore, #tpu.memory_space<semaphore_mem>>, %arg14: memref<!tpu.dma_semaphore, #tpu.memory_space<semaphore_mem>>, %arg15: memref<!tpu.dma_semaphore, #tpu.memory_space<semaphore_mem>>, %arg16: memref<!tpu.dma_semaphore, #tpu.memory_space<semaphore_mem>>, %arg17: memref<!tpu.dma_semaphore, #tpu.memory_space<semaphore_mem>>, %arg18: memref<!tpu.dma_semaphore, #tpu.memory_space<semaphore_mem>>, %arg19: memref<!tpu.dma_semaphore, #tpu.memory_space<semaphore_mem>>, %arg20: memref<!tpu.dma_semaphore, #tpu.memory_space<semaphore_mem>>) attributes {dimension_semantics = [#tpu.dimension_semantics<core_parallel>, #tpu.dimension_semantics<subcore_parallel>], iteration_bounds = array<i64: 2, 16>, scalar_prefetch = 0 : i64, scratch_operands = 16 : i64, tpu.core_type = #tpu.core_type<sc_vector_subcore>, window_params = [{transform_indices = #map}, {transform_indices = #map1}, {transform_indices = #map}]} {
    %mul3A = arith.constant 2 : i32
    %mul3A_0 = arith.muli %arg1, %mul3A : i32
    %add3A = arith.addi %mul3A_0, %arg0 : i32
    %mul3A_1 = arith.constant 256 : i32
    %mul3A_2 = arith.muli %add3A, %mul3A_1 : i32
    %add3A_3 = arith.constant 0 : i32
    %add3A_4 = arith.addi %mul3A_2, %add3A_3 : i32
    %dma_start3A = arith.constant 0 : i32
    %dma_start3A_5 = tpu.memref_slice %arg3[%add3A_4, %dma_start3A] : memref<8192x1024xf32, #tpu.memory_space<hbm>> -> memref<16x1024xf32, #tpu.memory_space<hbm>>
    %dma_start3A_6 = arith.constant 0 : i32
    %dma_start3A_7 = tpu.memref_slice %arg3[%add3A_4, %dma_start3A_6] : memref<8192x1024xf32, #tpu.memory_space<hbm>> -> memref<16x1024xf32, #tpu.memory_space<hbm>>
    tpu.enqueue_dma source(%dma_start3A_7 : memref<16x1024xf32, #tpu.memory_space<hbm>>) target(%arg9 : memref<16x1024xf32, #tpu.memory_space<vmem>>) target_semaphore(%arg19 : memref<!tpu.dma_semaphore, #tpu.memory_space<semaphore_mem>>)
    %add3A_8 = arith.constant 16 : i32
    %add3A_9 = arith.addi %mul3A_2, %add3A_8 : i32
    %dma_start3A_10 = arith.constant 0 : i32
    %dma_start3A_11 = tpu.memref_slice %arg3[%add3A_9, %dma_start3A_10] : memref<8192x1024xf32, #tpu.memory_space<hbm>> -> memref<16x1024xf32, #tpu.memory_space<hbm>>
    %dma_start3A_12 = arith.constant 0 : i32
    %dma_start3A_13 = tpu.memref_slice %arg3[%add3A_9, %dma_start3A_12] : memref<8192x1024xf32, #tpu.memory_space<hbm>> -> memref<16x1024xf32, #tpu.memory_space<hbm>>
    tpu.enqueue_dma source(%dma_start3A_13 : memref<16x1024xf32, #tpu.memory_space<hbm>>) target(%arg10 : memref<16x1024xf32, #tpu.memory_space<vmem>>) target_semaphore(%arg20 : memref<!tpu.dma_semaphore, #tpu.memory_space<semaphore_mem>>)
    %add3A_14 = arith.constant 0 : i32
    %add3A_15 = arith.addi %mul3A_2, %add3A_14 : i32
    %dma_start3A_16 = arith.constant 0 : i32
    %dma_start3A_17 = arith.constant 0 : i32
    %dma_start3A_18 = tpu.memref_slice %arg2[%dma_start3A_16, %add3A_15, %dma_start3A_17] : memref<4x8192x1024xf32, #tpu.memory_space<hbm>> -> memref<1x16x1024xf32, #tpu.memory_space<hbm>>
    %dma_start3A_19 = tpu.memref_squeeze %dma_start3A_18 : memref<1x16x1024xf32, #tpu.memory_space<hbm>> -> memref<16x1024xf32, #tpu.memory_space<hbm>>
    %dma_start3A_20 = arith.constant 0 : i32
    %dma_start3A_21 = tpu.memref_slice %arg2[%dma_start3A_16, %add3A_15, %dma_start3A_20] : memref<4x8192x1024xf32, #tpu.memory_space<hbm>> -> memref<1x16x1024xf32, #tpu.memory_space<hbm>>
    %dma_start3A_22 = tpu.memref_squeeze %dma_start3A_21 : memref<1x16x1024xf32, #tpu.memory_space<hbm>> -> memref<16x1024xf32, #tpu.memory_space<hbm>>
    tpu.enqueue_dma source(%dma_start3A_22 : memref<16x1024xf32, #tpu.memory_space<hbm>>) target(%arg5 : memref<16x1024xf32, #tpu.memory_space<vmem>>) target_semaphore(%arg11 : memref<!tpu.dma_semaphore, #tpu.memory_space<semaphore_mem>>)
    %add3A_23 = arith.constant 0 : i32
    %add3A_24 = arith.addi %mul3A_2, %add3A_23 : i32
    %dma_start3A_25 = arith.constant 1 : i32
    %dma_start3A_26 = arith.constant 0 : i32
    %dma_start3A_27 = tpu.memref_slice %arg2[%dma_start3A_25, %add3A_24, %dma_start3A_26] : memref<4x8192x1024xf32, #tpu.memory_space<hbm>> -> memref<1x16x1024xf32, #tpu.memory_space<hbm>>
    %dma_start3A_28 = tpu.memref_squeeze %dma_start3A_27 : memref<1x16x1024xf32, #tpu.memory_space<hbm>> -> memref<16x1024xf32, #tpu.memory_space<hbm>>
    %dma_start3A_29 = arith.constant 0 : i32
    %dma_start3A_30 = tpu.memref_slice %arg2[%dma_start3A_25, %add3A_24, %dma_start3A_29] : memref<4x8192x1024xf32, #tpu.memory_space<hbm>> -> memref<1x16x1024xf32, #tpu.memory_space<hbm>>
    %dma_start3A_31 = tpu.memref_squeeze %dma_start3A_30 : memref<1x16x1024xf32, #tpu.memory_space<hbm>> -> memref<16x1024xf32, #tpu.memory_space<hbm>>
    tpu.enqueue_dma source(%dma_start3A_31 : memref<16x1024xf32, #tpu.memory_space<hbm>>) target(%arg6 : memref<16x1024xf32, #tpu.memory_space<vmem>>) target_semaphore(%arg12 : memref<!tpu.dma_semaphore, #tpu.memory_space<semaphore_mem>>)
    %scan3A = arith.constant 0 : i32
    %scan3A_32 = arith.constant 0 : i32
    %scan3A_33 = arith.constant 8 : i32
    %scan3A_34 = arith.addi %scan3A_32, %scan3A_33 : i32
    %scan3A_35 = arith.constant 1 : i32
    %scan3A_36 = scf.for %scan3A_55 = %scan3A_32 to %scan3A_34 step %scan3A_35 iter_args(%scan3A_56 = %scan3A) -> (i32)  : i32 {
      %mul3A_57 = arith.constant 2 : i32
      %mul3A_58 = arith.muli %mul3A_57, %scan3A_55 : i32
      %add3A_59 = arith.constant 0 : i32
      %add3A_60 = arith.addi %mul3A_58, %add3A_59 : i32
      %dma_wait3A_61 = arith.constant 0 : i32
      %dma_wait3A_62 = arith.constant 0 : i32
      %dma_wait3A_63 = arith.constant 0 : i32
      %dma_wait3A_64 = tpu.memref_slice %arg2[%dma_wait3A_61, %dma_wait3A_62, %dma_wait3A_63] : memref<4x8192x1024xf32, #tpu.memory_space<hbm>> -> memref<1x16x1024xf32, #tpu.memory_space<hbm>>
      %dma_wait3A_65 = tpu.memref_squeeze %dma_wait3A_64 : memref<1x16x1024xf32, #tpu.memory_space<hbm>> -> memref<16x1024xf32, #tpu.memory_space<hbm>>
      %dma_wait3A_66 = arith.constant 0 : i32
      %dma_wait3A_67 = arith.constant 0 : i32
      %dma_wait3A_68 = tpu.memref_slice %arg2[%dma_wait3A_61, %dma_wait3A_66, %dma_wait3A_67] : memref<4x8192x1024xf32, #tpu.memory_space<hbm>> -> memref<1x16x1024xf32, #tpu.memory_space<hbm>>
      %dma_wait3A_69 = tpu.memref_squeeze %dma_wait3A_68 : memref<1x16x1024xf32, #tpu.memory_space<hbm>> -> memref<16x1024xf32, #tpu.memory_space<hbm>>
      tpu.wait_dma2 semaphore(%arg11 : memref<!tpu.dma_semaphore, #tpu.memory_space<semaphore_mem>>) src(%dma_wait3A_69 : memref<16x1024xf32, #tpu.memory_space<hbm>>) dst(%arg5 : memref<16x1024xf32, #tpu.memory_space<vmem>>)
      %dma_wait3A_70 = arith.constant 0 : i32
      %dma_wait3A_71 = arith.constant 0 : i32
      %dma_wait3A_72 = tpu.memref_slice %arg3[%dma_wait3A_70, %dma_wait3A_71] : memref<8192x1024xf32, #tpu.memory_space<hbm>> -> memref<16x1024xf32, #tpu.memory_space<hbm>>
      %dma_wait3A_73 = arith.constant 0 : i32
      %dma_wait3A_74 = arith.constant 0 : i32
      %dma_wait3A_75 = tpu.memref_slice %arg3[%dma_wait3A_73, %dma_wait3A_74] : memref<8192x1024xf32, #tpu.memory_space<hbm>> -> memref<16x1024xf32, #tpu.memory_space<hbm>>
      tpu.wait_dma2 semaphore(%arg19 : memref<!tpu.dma_semaphore, #tpu.memory_space<semaphore_mem>>) src(%dma_wait3A_75 : memref<16x1024xf32, #tpu.memory_space<hbm>>) dst(%arg9 : memref<16x1024xf32, #tpu.memory_space<vmem>>)
      %gt3A = arith.constant 0 : i32
      %gt3A_76 = arith.cmpi sgt, %scan3A_55, %gt3A : i32
      %convert_element_type3A = arith.extui %gt3A_76 : i1 to i32
      %cond3A = arith.constant 0 : i32
      %cond3A_77 = arith.cmpi ne, %convert_element_type3A, %cond3A : i32
      scf.if %cond3A_77 {
        %dma_wait3A_441 = arith.constant 0 : i32
        %dma_wait3A_442 = arith.constant 0 : i32
        %dma_wait3A_443 = arith.constant 0 : i32
        %dma_wait3A_444 = tpu.memref_slice %arg4[%dma_wait3A_441, %dma_wait3A_442, %dma_wait3A_443] : memref<4x8192x1024xf32, #tpu.memory_space<hbm>> -> memref<1x16x1024xf32, #tpu.memory_space<hbm>>
        %dma_wait3A_445 = tpu.memref_squeeze %dma_wait3A_444 : memref<1x16x1024xf32, #tpu.memory_space<hbm>> -> memref<16x1024xf32, #tpu.memory_space<hbm>>
        %dma_wait3A_446 = arith.constant 0 : i32
        %dma_wait3A_447 = arith.constant 0 : i32
        %dma_wait3A_448 = tpu.memref_slice %arg4[%dma_wait3A_441, %dma_wait3A_446, %dma_wait3A_447] : memref<4x8192x1024xf32, #tpu.memory_space<hbm>> -> memref<1x16x1024xf32, #tpu.memory_space<hbm>>
        %dma_wait3A_449 = tpu.memref_squeeze %dma_wait3A_448 : memref<1x16x1024xf32, #tpu.memory_space<hbm>> -> memref<16x1024xf32, #tpu.memory_space<hbm>>
        tpu.wait_dma2 semaphore(%arg17 : memref<!tpu.dma_semaphore, #tpu.memory_space<semaphore_mem>>) src(%arg7 : memref<16x1024xf32, #tpu.memory_space<vmem>>) dst(%dma_wait3A_449 : memref<16x1024xf32, #tpu.memory_space<hbm>>)
      } else {
      }
      %mul3A_78 = arith.constant 2 : i32
      %mul3A_79 = arith.muli %mul3A_78, %scan3A_55 : i32
      %add3A_80 = arith.constant 0 : i32
      %add3A_81 = arith.addi %mul3A_79, %add3A_80 : i32
      %mul3A_82 = arith.constant 16 : i32
      %mul3A_83 = arith.muli %add3A_81, %mul3A_82 : i32
      %add3A_84 = arith.addi %mul3A_2, %mul3A_83 : i32
      %dma_start3A_85 = arith.constant 2 : i32
      %dma_start3A_86 = arith.constant 0 : i32
      %dma_start3A_87 = tpu.memref_slice %arg2[%dma_start3A_85, %add3A_84, %dma_start3A_86] : memref<4x8192x1024xf32, #tpu.memory_space<hbm>> -> memref<1x16x1024xf32, #tpu.memory_space<hbm>>
      %dma_start3A_88 = tpu.memref_squeeze %dma_start3A_87 : memref<1x16x1024xf32, #tpu.memory_space<hbm>> -> memref<16x1024xf32, #tpu.memory_space<hbm>>
      %dma_start3A_89 = arith.constant 0 : i32
      %dma_start3A_90 = tpu.memref_slice %arg2[%dma_start3A_85, %add3A_84, %dma_start3A_89] : memref<4x8192x1024xf32, #tpu.memory_space<hbm>> -> memref<1x16x1024xf32, #tpu.memory_space<hbm>>
      %dma_start3A_91 = tpu.memref_squeeze %dma_start3A_90 : memref<1x16x1024xf32, #tpu.memory_space<hbm>> -> memref<16x1024xf32, #tpu.memory_space<hbm>>
      tpu.enqueue_dma source(%dma_start3A_91 : memref<16x1024xf32, #tpu.memory_space<hbm>>) target(%arg7 : memref<16x1024xf32, #tpu.memory_space<vmem>>) target_semaphore(%arg13 : memref<!tpu.dma_semaphore, #tpu.memory_space<semaphore_mem>>)
      %parallel_loop3A = arith.constant 0 : i32
      %parallel_loop3A_92 = arith.constant 16384 : i32
      %parallel_loop3A_93 = arith.constant 16 : i32
      scf.for %parallel_loop3A_441 = %parallel_loop3A to %parallel_loop3A_92 step %parallel_loop3A_93  : i32 {
        %parallel_loop3A_442 = arith.constant 10 : i32
        %parallel_loop3A_443 = arith.shrsi %parallel_loop3A_441, %parallel_loop3A_442 : i32
        %parallel_loop3A_444 = arith.constant 1023 : i32
        %parallel_loop3A_445 = arith.andi %parallel_loop3A_441, %parallel_loop3A_444 : i32
        %parallel_loop3A_446 = tpu.assume_multiple %parallel_loop3A_445, 16 : i32
        %parallel_loop3A_447 = arith.index_cast %parallel_loop3A_443 : i32 to index
        %parallel_loop3A_448 = arith.index_cast %parallel_loop3A_446 : i32 to index
        %parallel_loop3A_449 = tpu.vector_load %arg9[%parallel_loop3A_447, %parallel_loop3A_448] {strides = array<i32>} : memref<16x1024xf32, #tpu.memory_space<vmem>>, vector<1x16xf32>,
        %parallel_loop3A_450 = vector.shape_cast %parallel_loop3A_449 : vector<1x16xf32> to vector<16xf32>
        %parallel_loop3A_451 = arith.index_cast %parallel_loop3A_443 : i32 to index
        %parallel_loop3A_452 = arith.index_cast %parallel_loop3A_446 : i32 to index
        %parallel_loop3A_453 = tpu.vector_load %arg5[%parallel_loop3A_451, %parallel_loop3A_452] {strides = array<i32>} : memref<16x1024xf32, #tpu.memory_space<vmem>>, vector<1x16xf32>,
        %parallel_loop3A_454 = vector.shape_cast %parallel_loop3A_453 : vector<1x16xf32> to vector<16xf32>
        %parallel_loop3A_455 = vector.shape_cast %parallel_loop3A_450 : vector<16xf32> to vector<1x16xf32>
        tpu.vector_store %arg5[%parallel_loop3A_451, %parallel_loop3A_452], %parallel_loop3A_455 {add = true, strides = array<i32>} : memref<16x1024xf32, #tpu.memory_space<vmem>>, vector<1x16xf32>,
      } {sc.loop_unroll_factor = 8 : i64, sc.parallel_access}
      %mul3A_94 = arith.constant 16 : i32
      %mul3A_95 = arith.muli %add3A_60, %mul3A_94 : i32
      %add3A_96 = arith.addi %mul3A_2, %mul3A_95 : i32
      %dma_start3A_97 = arith.constant 0 : i32
      %dma_start3A_98 = arith.constant 0 : i32
      %dma_start3A_99 = tpu.memref_slice %arg4[%dma_start3A_97, %add3A_96, %dma_start3A_98] : memref<4x8192x1024xf32, #tpu.memory_space<hbm>> -> memref<1x16x1024xf32, #tpu.memory_space<hbm>>
      %dma_start3A_100 = tpu.memref_squeeze %dma_start3A_99 : memref<1x16x1024xf32, #tpu.memory_space<hbm>> -> memref<16x1024xf32, #tpu.memory_space<hbm>>
      %dma_start3A_101 = arith.constant 0 : i32
      %dma_start3A_102 = tpu.memref_slice %arg4[%dma_start3A_97, %add3A_96, %dma_start3A_101] : memref<4x8192x1024xf32, #tpu.memory_space<hbm>> -> memref<1x16x1024xf32, #tpu.memory_space<hbm>>
      %dma_start3A_103 = tpu.memref_squeeze %dma_start3A_102 : memref<1x16x1024xf32, #tpu.memory_space<hbm>> -> memref<16x1024xf32, #tpu.memory_space<hbm>>
      tpu.enqueue_dma source(%arg5 : memref<16x1024xf32, #tpu.memory_space<vmem>>) target(%dma_start3A_103 : memref<16x1024xf32, #tpu.memory_space<hbm>>) target_semaphore(%arg15 : memref<!tpu.dma_semaphore, #tpu.memory_space<semaphore_mem>>)
      %mul3A_104 = arith.constant 2 : i32
      %mul3A_105 = arith.muli %mul3A_104, %scan3A_55 : i32
      %add3A_106 = arith.constant 0 : i32
      %add3A_107 = arith.addi %mul3A_105, %add3A_106 : i32
      %dma_wait3A_108 = arith.constant 0 : i32
      %dma_wait3A_109 = arith.constant 0 : i32
      %dma_wait3A_110 = arith.constant 0 : i32
      %dma_wait3A_111 = tpu.memref_slice %arg2[%dma_wait3A_108, %dma_wait3A_109, %dma_wait3A_110] : memref<4x8192x1024xf32, #tpu.memory_space<hbm>> -> memref<1x16x1024xf32, #tpu.memory_space<hbm>>
      %dma_wait3A_112 = tpu.memref_squeeze %dma_wait3A_111 : memref<1x16x1024xf32, #tpu.memory_space<hbm>> -> memref<16x1024xf32, #tpu.memory_space<hbm>>
      %dma_wait3A_113 = arith.constant 0 : i32
      %dma_wait3A_114 = arith.constant 0 : i32
      %dma_wait3A_115 = tpu.memref_slice %arg2[%dma_wait3A_108, %dma_wait3A_113, %dma_wait3A_114] : memref<4x8192x1024xf32, #tpu.memory_space<hbm>> -> memref<1x16x1024xf32, #tpu.memory_space<hbm>>
      %dma_wait3A_116 = tpu.memref_squeeze %dma_wait3A_115 : memref<1x16x1024xf32, #tpu.memory_space<hbm>> -> memref<16x1024xf32, #tpu.memory_space<hbm>>
      tpu.wait_dma2 semaphore(%arg12 : memref<!tpu.dma_semaphore, #tpu.memory_space<semaphore_mem>>) src(%dma_wait3A_116 : memref<16x1024xf32, #tpu.memory_space<hbm>>) dst(%arg6 : memref<16x1024xf32, #tpu.memory_space<vmem>>)
      %gt3A_117 = arith.constant 0 : i32
      %gt3A_118 = arith.cmpi sgt, %scan3A_55, %gt3A_117 : i32
      %convert_element_type3A_119 = arith.extui %gt3A_118 : i1 to i32
      %cond3A_120 = arith.constant 0 : i32
      %cond3A_121 = arith.cmpi ne, %convert_element_type3A_119, %cond3A_120 : i32
      scf.if %cond3A_121 {
        %dma_wait3A_441 = arith.constant 0 : i32
        %dma_wait3A_442 = arith.constant 0 : i32
        %dma_wait3A_443 = arith.constant 0 : i32
        %dma_wait3A_444 = tpu.memref_slice %arg4[%dma_wait3A_441, %dma_wait3A_442, %dma_wait3A_443] : memref<4x8192x1024xf32, #tpu.memory_space<hbm>> -> memref<1x16x1024xf32, #tpu.memory_space<hbm>>
        %dma_wait3A_445 = tpu.memref_squeeze %dma_wait3A_444 : memref<1x16x1024xf32, #tpu.memory_space<hbm>> -> memref<16x1024xf32, #tpu.memory_space<hbm>>
        %dma_wait3A_446 = arith.constant 0 : i32
        %dma_wait3A_447 = arith.constant 0 : i32
        %dma_wait3A_448 = tpu.memref_slice %arg4[%dma_wait3A_441, %dma_wait3A_446, %dma_wait3A_447] : memref<4x8192x1024xf32, #tpu.memory_space<hbm>> -> memref<1x16x1024xf32, #tpu.memory_space<hbm>>
        %dma_wait3A_449 = tpu.memref_squeeze %dma_wait3A_448 : memref<1x16x1024xf32, #tpu.memory_space<hbm>> -> memref<16x1024xf32, #tpu.memory_space<hbm>>
        tpu.wait_dma2 semaphore(%arg18 : memref<!tpu.dma_semaphore, #tpu.memory_space<semaphore_mem>>) src(%arg8 : memref<16x1024xf32, #tpu.memory_space<vmem>>) dst(%dma_wait3A_449 : memref<16x1024xf32, #tpu.memory_space<hbm>>)
      } else {
      }
      %mul3A_122 = arith.constant 2 : i32
      %mul3A_123 = arith.muli %mul3A_122, %scan3A_55 : i32
      %add3A_124 = arith.constant 0 : i32
      %add3A_125 = arith.addi %mul3A_123, %add3A_124 : i32
      %mul3A_126 = arith.constant 16 : i32
      %mul3A_127 = arith.muli %add3A_125, %mul3A_126 : i32
      %add3A_128 = arith.addi %mul3A_2, %mul3A_127 : i32
      %dma_start3A_129 = arith.constant 3 : i32
      %dma_start3A_130 = arith.constant 0 : i32
      %dma_start3A_131 = tpu.memref_slice %arg2[%dma_start3A_129, %add3A_128, %dma_start3A_130] : memref<4x8192x1024xf32, #tpu.memory_space<hbm>> -> memref<1x16x1024xf32, #tpu.memory_space<hbm>>
      %dma_start3A_132 = tpu.memref_squeeze %dma_start3A_131 : memref<1x16x1024xf32, #tpu.memory_space<hbm>> -> memref<16x1024xf32, #tpu.memory_space<hbm>>
      %dma_start3A_133 = arith.constant 0 : i32
      %dma_start3A_134 = tpu.memref_slice %arg2[%dma_start3A_129, %add3A_128, %dma_start3A_133] : memref<4x8192x1024xf32, #tpu.memory_space<hbm>> -> memref<1x16x1024xf32, #tpu.memory_space<hbm>>
      %dma_start3A_135 = tpu.memref_squeeze %dma_start3A_134 : memref<1x16x1024xf32, #tpu.memory_space<hbm>> -> memref<16x1024xf32, #tpu.memory_space<hbm>>
      tpu.enqueue_dma source(%dma_start3A_135 : memref<16x1024xf32, #tpu.memory_space<hbm>>) target(%arg8 : memref<16x1024xf32, #tpu.memory_space<vmem>>) target_semaphore(%arg14 : memref<!tpu.dma_semaphore, #tpu.memory_space<semaphore_mem>>)
      %parallel_loop3A_136 = arith.constant 0 : i32
      %parallel_loop3A_137 = arith.constant 16384 : i32
      %parallel_loop3A_138 = arith.constant 16 : i32
      scf.for %parallel_loop3A_441 = %parallel_loop3A_136 to %parallel_loop3A_137 step %parallel_loop3A_138  : i32 {
        %parallel_loop3A_442 = arith.constant 10 : i32
        %parallel_loop3A_443 = arith.shrsi %parallel_loop3A_441, %parallel_loop3A_442 : i32
        %parallel_loop3A_444 = arith.constant 1023 : i32
        %parallel_loop3A_445 = arith.andi %parallel_loop3A_441, %parallel_loop3A_444 : i32
        %parallel_loop3A_446 = tpu.assume_multiple %parallel_loop3A_445, 16 : i32
        %parallel_loop3A_447 = arith.index_cast %parallel_loop3A_443 : i32 to index
        %parallel_loop3A_448 = arith.index_cast %parallel_loop3A_446 : i32 to index
        %parallel_loop3A_449 = tpu.vector_load %arg9[%parallel_loop3A_447, %parallel_loop3A_448] {strides = array<i32>} : memref<16x1024xf32, #tpu.memory_space<vmem>>, vector<1x16xf32>,
        %parallel_loop3A_450 = vector.shape_cast %parallel_loop3A_449 : vector<1x16xf32> to vector<16xf32>
        %parallel_loop3A_451 = arith.index_cast %parallel_loop3A_443 : i32 to index
        %parallel_loop3A_452 = arith.index_cast %parallel_loop3A_446 : i32 to index
        %parallel_loop3A_453 = tpu.vector_load %arg6[%parallel_loop3A_451, %parallel_loop3A_452] {strides = array<i32>} : memref<16x1024xf32, #tpu.memory_space<vmem>>, vector<1x16xf32>,
        %parallel_loop3A_454 = vector.shape_cast %parallel_loop3A_453 : vector<1x16xf32> to vector<16xf32>
        %parallel_loop3A_455 = vector.shape_cast %parallel_loop3A_450 : vector<16xf32> to vector<1x16xf32>
        tpu.vector_store %arg6[%parallel_loop3A_451, %parallel_loop3A_452], %parallel_loop3A_455 {add = true, strides = array<i32>} : memref<16x1024xf32, #tpu.memory_space<vmem>>, vector<1x16xf32>,
      } {sc.loop_unroll_factor = 8 : i64, sc.parallel_access}
      %mul3A_139 = arith.constant 16 : i32
      %mul3A_140 = arith.muli %add3A_107, %mul3A_139 : i32
      %add3A_141 = arith.addi %mul3A_2, %mul3A_140 : i32
      %dma_start3A_142 = arith.constant 1 : i32
      %dma_start3A_143 = arith.constant 0 : i32
      %dma_start3A_144 = tpu.memref_slice %arg4[%dma_start3A_142, %add3A_141, %dma_start3A_143] : memref<4x8192x1024xf32, #tpu.memory_space<hbm>> -> memref<1x16x1024xf32, #tpu.memory_space<hbm>>
      %dma_start3A_145 = tpu.memref_squeeze %dma_start3A_144 : memref<1x16x1024xf32, #tpu.memory_space<hbm>> -> memref<16x1024xf32, #tpu.memory_space<hbm>>
      %dma_start3A_146 = arith.constant 0 : i32
      %dma_start3A_147 = tpu.memref_slice %arg4[%dma_start3A_142, %add3A_141, %dma_start3A_146] : memref<4x8192x1024xf32, #tpu.memory_space<hbm>> -> memref<1x16x1024xf32, #tpu.memory_space<hbm>>
      %dma_start3A_148 = tpu.memref_squeeze %dma_start3A_147 : memref<1x16x1024xf32, #tpu.memory_space<hbm>> -> memref<16x1024xf32, #tpu.memory_space<hbm>>
      tpu.enqueue_dma source(%arg6 : memref<16x1024xf32, #tpu.memory_space<vmem>>) target(%dma_start3A_148 : memref<16x1024xf32, #tpu.memory_space<hbm>>) target_semaphore(%arg16 : memref<!tpu.dma_semaphore, #tpu.memory_space<semaphore_mem>>)
      %mul3A_149 = arith.constant 2 : i32
      %mul3A_150 = arith.muli %mul3A_149, %scan3A_55 : i32
      %add3A_151 = arith.constant 0 : i32
      %add3A_152 = arith.addi %mul3A_150, %add3A_151 : i32
      %dma_wait3A_153 = arith.constant 0 : i32
      %dma_wait3A_154 = arith.constant 0 : i32
      %dma_wait3A_155 = arith.constant 0 : i32
      %dma_wait3A_156 = tpu.memref_slice %arg2[%dma_wait3A_153, %dma_wait3A_154, %dma_wait3A_155] : memref<4x8192x1024xf32, #tpu.memory_space<hbm>> -> memref<1x16x1024xf32, #tpu.memory_space<hbm>>
      %dma_wait3A_157 = tpu.memref_squeeze %dma_wait3A_156 : memref<1x16x1024xf32, #tpu.memory_space<hbm>> -> memref<16x1024xf32, #tpu.memory_space<hbm>>
      %dma_wait3A_158 = arith.constant 0 : i32
      %dma_wait3A_159 = arith.constant 0 : i32
      %dma_wait3A_160 = tpu.memref_slice %arg2[%dma_wait3A_153, %dma_wait3A_158, %dma_wait3A_159] : memref<4x8192x1024xf32, #tpu.memory_space<hbm>> -> memref<1x16x1024xf32, #tpu.memory_space<hbm>>
      %dma_wait3A_161 = tpu.memref_squeeze %dma_wait3A_160 : memref<1x16x1024xf32, #tpu.memory_space<hbm>> -> memref<16x1024xf32, #tpu.memory_space<hbm>>
      tpu.wait_dma2 semaphore(%arg13 : memref<!tpu.dma_semaphore, #tpu.memory_space<semaphore_mem>>) src(%dma_wait3A_161 : memref<16x1024xf32, #tpu.memory_space<hbm>>) dst(%arg7 : memref<16x1024xf32, #tpu.memory_space<vmem>>)
      %dma_wait3A_162 = arith.constant 0 : i32
      %dma_wait3A_163 = arith.constant 0 : i32
      %dma_wait3A_164 = arith.constant 0 : i32
      %dma_wait3A_165 = tpu.memref_slice %arg4[%dma_wait3A_162, %dma_wait3A_163, %dma_wait3A_164] : memref<4x8192x1024xf32, #tpu.memory_space<hbm>> -> memref<1x16x1024xf32, #tpu.memory_space<hbm>>
      %dma_wait3A_166 = tpu.memref_squeeze %dma_wait3A_165 : memref<1x16x1024xf32, #tpu.memory_space<hbm>> -> memref<16x1024xf32, #tpu.memory_space<hbm>>
      %dma_wait3A_167 = arith.constant 0 : i32
      %dma_wait3A_168 = arith.constant 0 : i32
      %dma_wait3A_169 = tpu.memref_slice %arg4[%dma_wait3A_162, %dma_wait3A_167, %dma_wait3A_168] : memref<4x8192x1024xf32, #tpu.memory_space<hbm>> -> memref<1x16x1024xf32, #tpu.memory_space<hbm>>
      %dma_wait3A_170 = tpu.memref_squeeze %dma_wait3A_169 : memref<1x16x1024xf32, #tpu.memory_space<hbm>> -> memref<16x1024xf32, #tpu.memory_space<hbm>>
      tpu.wait_dma2 semaphore(%arg15 : memref<!tpu.dma_semaphore, #tpu.memory_space<semaphore_mem>>) src(%arg5 : memref<16x1024xf32, #tpu.memory_space<vmem>>) dst(%dma_wait3A_170 : memref<16x1024xf32, #tpu.memory_space<hbm>>)
      %mul3A_171 = arith.constant 2 : i32
      %mul3A_172 = arith.muli %mul3A_171, %scan3A_55 : i32
      %add3A_173 = arith.constant 1 : i32
      %add3A_174 = arith.addi %mul3A_172, %add3A_173 : i32
      %mul3A_175 = arith.constant 16 : i32
      %mul3A_176 = arith.muli %add3A_174, %mul3A_175 : i32
      %add3A_177 = arith.addi %mul3A_2, %mul3A_176 : i32
      %dma_start3A_178 = arith.constant 0 : i32
      %dma_start3A_179 = arith.constant 0 : i32
      %dma_start3A_180 = tpu.memref_slice %arg2[%dma_start3A_178, %add3A_177, %dma_start3A_179] : memref<4x8192x1024xf32, #tpu.memory_space<hbm>> -> memref<1x16x1024xf32, #tpu.memory_space<hbm>>
      %dma_start3A_181 = tpu.memref_squeeze %dma_start3A_180 : memref<1x16x1024xf32, #tpu.memory_space<hbm>> -> memref<16x1024xf32, #tpu.memory_space<hbm>>
      %dma_start3A_182 = arith.constant 0 : i32
      %dma_start3A_183 = tpu.memref_slice %arg2[%dma_start3A_178, %add3A_177, %dma_start3A_182] : memref<4x8192x1024xf32, #tpu.memory_space<hbm>> -> memref<1x16x1024xf32, #tpu.memory_space<hbm>>
      %dma_start3A_184 = tpu.memref_squeeze %dma_start3A_183 : memref<1x16x1024xf32, #tpu.memory_space<hbm>> -> memref<16x1024xf32, #tpu.memory_space<hbm>>
      tpu.enqueue_dma source(%dma_start3A_184 : memref<16x1024xf32, #tpu.memory_space<hbm>>) target(%arg5 : memref<16x1024xf32, #tpu.memory_space<vmem>>) target_semaphore(%arg11 : memref<!tpu.dma_semaphore, #tpu.memory_space<semaphore_mem>>)
      %parallel_loop3A_185 = arith.constant 0 : i32
      %parallel_loop3A_186 = arith.constant 16384 : i32
      %parallel_loop3A_187 = arith.constant 16 : i32
      scf.for %parallel_loop3A_441 = %parallel_loop3A_185 to %parallel_loop3A_186 step %parallel_loop3A_187  : i32 {
        %parallel_loop3A_442 = arith.constant 10 : i32
        %parallel_loop3A_443 = arith.shrsi %parallel_loop3A_441, %parallel_loop3A_442 : i32
        %parallel_loop3A_444 = arith.constant 1023 : i32
        %parallel_loop3A_445 = arith.andi %parallel_loop3A_441, %parallel_loop3A_444 : i32
        %parallel_loop3A_446 = tpu.assume_multiple %parallel_loop3A_445, 16 : i32
        %parallel_loop3A_447 = arith.index_cast %parallel_loop3A_443 : i32 to index
        %parallel_loop3A_448 = arith.index_cast %parallel_loop3A_446 : i32 to index
        %parallel_loop3A_449 = tpu.vector_load %arg9[%parallel_loop3A_447, %parallel_loop3A_448] {strides = array<i32>} : memref<16x1024xf32, #tpu.memory_space<vmem>>, vector<1x16xf32>,
        %parallel_loop3A_450 = vector.shape_cast %parallel_loop3A_449 : vector<1x16xf32> to vector<16xf32>
        %parallel_loop3A_451 = arith.index_cast %parallel_loop3A_443 : i32 to index
        %parallel_loop3A_452 = arith.index_cast %parallel_loop3A_446 : i32 to index
        %parallel_loop3A_453 = tpu.vector_load %arg7[%parallel_loop3A_451, %parallel_loop3A_452] {strides = array<i32>} : memref<16x1024xf32, #tpu.memory_space<vmem>>, vector<1x16xf32>,
        %parallel_loop3A_454 = vector.shape_cast %parallel_loop3A_453 : vector<1x16xf32> to vector<16xf32>
        %parallel_loop3A_455 = vector.shape_cast %parallel_loop3A_450 : vector<16xf32> to vector<1x16xf32>
        tpu.vector_store %arg7[%parallel_loop3A_451, %parallel_loop3A_452], %parallel_loop3A_455 {add = true, strides = array<i32>} : memref<16x1024xf32, #tpu.memory_space<vmem>>, vector<1x16xf32>,
      } {sc.loop_unroll_factor = 8 : i64, sc.parallel_access}
      %mul3A_188 = arith.constant 16 : i32
      %mul3A_189 = arith.muli %add3A_152, %mul3A_188 : i32
      %add3A_190 = arith.addi %mul3A_2, %mul3A_189 : i32
      %dma_start3A_191 = arith.constant 2 : i32
      %dma_start3A_192 = arith.constant 0 : i32
      %dma_start3A_193 = tpu.memref_slice %arg4[%dma_start3A_191, %add3A_190, %dma_start3A_192] : memref<4x8192x1024xf32, #tpu.memory_space<hbm>> -> memref<1x16x1024xf32, #tpu.memory_space<hbm>>
      %dma_start3A_194 = tpu.memref_squeeze %dma_start3A_193 : memref<1x16x1024xf32, #tpu.memory_space<hbm>> -> memref<16x1024xf32, #tpu.memory_space<hbm>>
      %dma_start3A_195 = arith.constant 0 : i32
      %dma_start3A_196 = tpu.memref_slice %arg4[%dma_start3A_191, %add3A_190, %dma_start3A_195] : memref<4x8192x1024xf32, #tpu.memory_space<hbm>> -> memref<1x16x1024xf32, #tpu.memory_space<hbm>>
      %dma_start3A_197 = tpu.memref_squeeze %dma_start3A_196 : memref<1x16x1024xf32, #tpu.memory_space<hbm>> -> memref<16x1024xf32, #tpu.memory_space<hbm>>
      tpu.enqueue_dma source(%arg7 : memref<16x1024xf32, #tpu.memory_space<vmem>>) target(%dma_start3A_197 : memref<16x1024xf32, #tpu.memory_space<hbm>>) target_semaphore(%arg17 : memref<!tpu.dma_semaphore, #tpu.memory_space<semaphore_mem>>)
      %mul3A_198 = arith.constant 2 : i32
      %mul3A_199 = arith.muli %mul3A_198, %scan3A_55 : i32
      %add3A_200 = arith.constant 0 : i32
      %add3A_201 = arith.addi %mul3A_199, %add3A_200 : i32
      %dma_wait3A_202 = arith.constant 0 : i32
      %dma_wait3A_203 = arith.constant 0 : i32
      %dma_wait3A_204 = arith.constant 0 : i32
      %dma_wait3A_205 = tpu.memref_slice %arg2[%dma_wait3A_202, %dma_wait3A_203, %dma_wait3A_204] : memref<4x8192x1024xf32, #tpu.memory_space<hbm>> -> memref<1x16x1024xf32, #tpu.memory_space<hbm>>
      %dma_wait3A_206 = tpu.memref_squeeze %dma_wait3A_205 : memref<1x16x1024xf32, #tpu.memory_space<hbm>> -> memref<16x1024xf32, #tpu.memory_space<hbm>>
      %dma_wait3A_207 = arith.constant 0 : i32
      %dma_wait3A_208 = arith.constant 0 : i32
      %dma_wait3A_209 = tpu.memref_slice %arg2[%dma_wait3A_202, %dma_wait3A_207, %dma_wait3A_208] : memref<4x8192x1024xf32, #tpu.memory_space<hbm>> -> memref<1x16x1024xf32, #tpu.memory_space<hbm>>
      %dma_wait3A_210 = tpu.memref_squeeze %dma_wait3A_209 : memref<1x16x1024xf32, #tpu.memory_space<hbm>> -> memref<16x1024xf32, #tpu.memory_space<hbm>>
      tpu.wait_dma2 semaphore(%arg14 : memref<!tpu.dma_semaphore, #tpu.memory_space<semaphore_mem>>) src(%dma_wait3A_210 : memref<16x1024xf32, #tpu.memory_space<hbm>>) dst(%arg8 : memref<16x1024xf32, #tpu.memory_space<vmem>>)
      %dma_wait3A_211 = arith.constant 0 : i32
      %dma_wait3A_212 = arith.constant 0 : i32
      %dma_wait3A_213 = arith.constant 0 : i32
      %dma_wait3A_214 = tpu.memref_slice %arg4[%dma_wait3A_211, %dma_wait3A_212, %dma_wait3A_213] : memref<4x8192x1024xf32, #tpu.memory_space<hbm>> -> memref<1x16x1024xf32, #tpu.memory_space<hbm>>
      %dma_wait3A_215 = tpu.memref_squeeze %dma_wait3A_214 : memref<1x16x1024xf32, #tpu.memory_space<hbm>> -> memref<16x1024xf32, #tpu.memory_space<hbm>>
      %dma_wait3A_216 = arith.constant 0 : i32
      %dma_wait3A_217 = arith.constant 0 : i32
      %dma_wait3A_218 = tpu.memref_slice %arg4[%dma_wait3A_211, %dma_wait3A_216, %dma_wait3A_217] : memref<4x8192x1024xf32, #tpu.memory_space<hbm>> -> memref<1x16x1024xf32, #tpu.memory_space<hbm>>
      %dma_wait3A_219 = tpu.memref_squeeze %dma_wait3A_218 : memref<1x16x1024xf32, #tpu.memory_space<hbm>> -> memref<16x1024xf32, #tpu.memory_space<hbm>>
      tpu.wait_dma2 semaphore(%arg16 : memref<!tpu.dma_semaphore, #tpu.memory_space<semaphore_mem>>) src(%arg6 : memref<16x1024xf32, #tpu.memory_space<vmem>>) dst(%dma_wait3A_219 : memref<16x1024xf32, #tpu.memory_space<hbm>>)
      %mul3A_220 = arith.constant 2 : i32
      %mul3A_221 = arith.muli %mul3A_220, %scan3A_55 : i32
      %add3A_222 = arith.constant 1 : i32
      %add3A_223 = arith.addi %mul3A_221, %add3A_222 : i32
      %mul3A_224 = arith.constant 16 : i32
      %mul3A_225 = arith.muli %add3A_223, %mul3A_224 : i32
      %add3A_226 = arith.addi %mul3A_2, %mul3A_225 : i32
      %dma_start3A_227 = arith.constant 1 : i32
      %dma_start3A_228 = arith.constant 0 : i32
      %dma_start3A_229 = tpu.memref_slice %arg2[%dma_start3A_227, %add3A_226, %dma_start3A_228] : memref<4x8192x1024xf32, #tpu.memory_space<hbm>> -> memref<1x16x1024xf32, #tpu.memory_space<hbm>>
      %dma_start3A_230 = tpu.memref_squeeze %dma_start3A_229 : memref<1x16x1024xf32, #tpu.memory_space<hbm>> -> memref<16x1024xf32, #tpu.memory_space<hbm>>
      %dma_start3A_231 = arith.constant 0 : i32
      %dma_start3A_232 = tpu.memref_slice %arg2[%dma_start3A_227, %add3A_226, %dma_start3A_231] : memref<4x8192x1024xf32, #tpu.memory_space<hbm>> -> memref<1x16x1024xf32, #tpu.memory_space<hbm>>
      %dma_start3A_233 = tpu.memref_squeeze %dma_start3A_232 : memref<1x16x1024xf32, #tpu.memory_space<hbm>> -> memref<16x1024xf32, #tpu.memory_space<hbm>>
      tpu.enqueue_dma source(%dma_start3A_233 : memref<16x1024xf32, #tpu.memory_space<hbm>>) target(%arg6 : memref<16x1024xf32, #tpu.memory_space<vmem>>) target_semaphore(%arg12 : memref<!tpu.dma_semaphore, #tpu.memory_space<semaphore_mem>>)
      %parallel_loop3A_234 = arith.constant 0 : i32
      %parallel_loop3A_235 = arith.constant 16384 : i32
      %parallel_loop3A_236 = arith.constant 16 : i32
      scf.for %parallel_loop3A_441 = %parallel_loop3A_234 to %parallel_loop3A_235 step %parallel_loop3A_236  : i32 {
        %parallel_loop3A_442 = arith.constant 10 : i32
        %parallel_loop3A_443 = arith.shrsi %parallel_loop3A_441, %parallel_loop3A_442 : i32
        %parallel_loop3A_444 = arith.constant 1023 : i32
        %parallel_loop3A_445 = arith.andi %parallel_loop3A_441, %parallel_loop3A_444 : i32
        %parallel_loop3A_446 = tpu.assume_multiple %parallel_loop3A_445, 16 : i32
        %parallel_loop3A_447 = arith.index_cast %parallel_loop3A_443 : i32 to index
        %parallel_loop3A_448 = arith.index_cast %parallel_loop3A_446 : i32 to index
        %parallel_loop3A_449 = tpu.vector_load %arg9[%parallel_loop3A_447, %parallel_loop3A_448] {strides = array<i32>} : memref<16x1024xf32, #tpu.memory_space<vmem>>, vector<1x16xf32>,
        %parallel_loop3A_450 = vector.shape_cast %parallel_loop3A_449 : vector<1x16xf32> to vector<16xf32>
        %parallel_loop3A_451 = arith.index_cast %parallel_loop3A_443 : i32 to index
        %parallel_loop3A_452 = arith.index_cast %parallel_loop3A_446 : i32 to index
        %parallel_loop3A_453 = tpu.vector_load %arg8[%parallel_loop3A_451, %parallel_loop3A_452] {strides = array<i32>} : memref<16x1024xf32, #tpu.memory_space<vmem>>, vector<1x16xf32>,
        %parallel_loop3A_454 = vector.shape_cast %parallel_loop3A_453 : vector<1x16xf32> to vector<16xf32>
        %parallel_loop3A_455 = vector.shape_cast %parallel_loop3A_450 : vector<16xf32> to vector<1x16xf32>
        tpu.vector_store %arg8[%parallel_loop3A_451, %parallel_loop3A_452], %parallel_loop3A_455 {add = true, strides = array<i32>} : memref<16x1024xf32, #tpu.memory_space<vmem>>, vector<1x16xf32>,
      } {sc.loop_unroll_factor = 8 : i64, sc.parallel_access}
      %mul3A_237 = arith.constant 16 : i32
      %mul3A_238 = arith.muli %add3A_201, %mul3A_237 : i32
      %add3A_239 = arith.addi %mul3A_2, %mul3A_238 : i32
      %dma_start3A_240 = arith.constant 3 : i32
      %dma_start3A_241 = arith.constant 0 : i32
      %dma_start3A_242 = tpu.memref_slice %arg4[%dma_start3A_240, %add3A_239, %dma_start3A_241] : memref<4x8192x1024xf32, #tpu.memory_space<hbm>> -> memref<1x16x1024xf32, #tpu.memory_space<hbm>>
      %dma_start3A_243 = tpu.memref_squeeze %dma_start3A_242 : memref<1x16x1024xf32, #tpu.memory_space<hbm>> -> memref<16x1024xf32, #tpu.memory_space<hbm>>
      %dma_start3A_244 = arith.constant 0 : i32
      %dma_start3A_245 = tpu.memref_slice %arg4[%dma_start3A_240, %add3A_239, %dma_start3A_244] : memref<4x8192x1024xf32, #tpu.memory_space<hbm>> -> memref<1x16x1024xf32, #tpu.memory_space<hbm>>
      %dma_start3A_246 = tpu.memref_squeeze %dma_start3A_245 : memref<1x16x1024xf32, #tpu.memory_space<hbm>> -> memref<16x1024xf32, #tpu.memory_space<hbm>>
      tpu.enqueue_dma source(%arg8 : memref<16x1024xf32, #tpu.memory_space<vmem>>) target(%dma_start3A_246 : memref<16x1024xf32, #tpu.memory_space<hbm>>) target_semaphore(%arg18 : memref<!tpu.dma_semaphore, #tpu.memory_space<semaphore_mem>>)
      %lt3A = arith.constant 7 : i32
      %lt3A_247 = arith.cmpi slt, %scan3A_55, %lt3A : i32
      %convert_element_type3A_248 = arith.extui %lt3A_247 : i1 to i32
      %cond3A_249 = arith.constant 0 : i32
      %cond3A_250 = arith.cmpi ne, %convert_element_type3A_248, %cond3A_249 : i32
      scf.if %cond3A_250 {
        %mul3A_441 = arith.constant 2 : i32
        %mul3A_442 = arith.muli %mul3A_441, %scan3A_55 : i32
        %add3A_443 = arith.constant 2 : i32
        %add3A_444 = arith.addi %mul3A_442, %add3A_443 : i32
        %add3A_445 = arith.constant 0 : i32
        %add3A_446 = arith.addi %add3A_444, %add3A_445 : i32
        %mul3A_447 = arith.constant 16 : i32
        %mul3A_448 = arith.muli %add3A_446, %mul3A_447 : i32
        %add3A_449 = arith.addi %mul3A_2, %mul3A_448 : i32
        %dma_start3A_450 = arith.constant 0 : i32
        %dma_start3A_451 = tpu.memref_slice %arg3[%add3A_449, %dma_start3A_450] : memref<8192x1024xf32, #tpu.memory_space<hbm>> -> memref<16x1024xf32, #tpu.memory_space<hbm>>
        %dma_start3A_452 = arith.constant 0 : i32
        %dma_start3A_453 = tpu.memref_slice %arg3[%add3A_449, %dma_start3A_452] : memref<8192x1024xf32, #tpu.memory_space<hbm>> -> memref<16x1024xf32, #tpu.memory_space<hbm>>
        tpu.enqueue_dma source(%dma_start3A_453 : memref<16x1024xf32, #tpu.memory_space<hbm>>) target(%arg9 : memref<16x1024xf32, #tpu.memory_space<vmem>>) target_semaphore(%arg19 : memref<!tpu.dma_semaphore, #tpu.memory_space<semaphore_mem>>)
      } else {
      }
      %mul3A_251 = arith.constant 2 : i32
      %mul3A_252 = arith.muli %mul3A_251, %scan3A_55 : i32
      %add3A_253 = arith.constant 1 : i32
      %add3A_254 = arith.addi %mul3A_252, %add3A_253 : i32
      %dma_wait3A_255 = arith.constant 0 : i32
      %dma_wait3A_256 = arith.constant 0 : i32
      %dma_wait3A_257 = arith.constant 0 : i32
      %dma_wait3A_258 = tpu.memref_slice %arg2[%dma_wait3A_255, %dma_wait3A_256, %dma_wait3A_257] : memref<4x8192x1024xf32, #tpu.memory_space<hbm>> -> memref<1x16x1024xf32, #tpu.memory_space<hbm>>
      %dma_wait3A_259 = tpu.memref_squeeze %dma_wait3A_258 : memref<1x16x1024xf32, #tpu.memory_space<hbm>> -> memref<16x1024xf32, #tpu.memory_space<hbm>>
      %dma_wait3A_260 = arith.constant 0 : i32
      %dma_wait3A_261 = arith.constant 0 : i32
      %dma_wait3A_262 = tpu.memref_slice %arg2[%dma_wait3A_255, %dma_wait3A_260, %dma_wait3A_261] : memref<4x8192x1024xf32, #tpu.memory_space<hbm>> -> memref<1x16x1024xf32, #tpu.memory_space<hbm>>
      %dma_wait3A_263 = tpu.memref_squeeze %dma_wait3A_262 : memref<1x16x1024xf32, #tpu.memory_space<hbm>> -> memref<16x1024xf32, #tpu.memory_space<hbm>>
      tpu.wait_dma2 semaphore(%arg11 : memref<!tpu.dma_semaphore, #tpu.memory_space<semaphore_mem>>) src(%dma_wait3A_263 : memref<16x1024xf32, #tpu.memory_space<hbm>>) dst(%arg5 : memref<16x1024xf32, #tpu.memory_space<vmem>>)
      %dma_wait3A_264 = arith.constant 0 : i32
      %dma_wait3A_265 = arith.constant 0 : i32
      %dma_wait3A_266 = tpu.memref_slice %arg3[%dma_wait3A_264, %dma_wait3A_265] : memref<8192x1024xf32, #tpu.memory_space<hbm>> -> memref<16x1024xf32, #tpu.memory_space<hbm>>
      %dma_wait3A_267 = arith.constant 0 : i32
      %dma_wait3A_268 = arith.constant 0 : i32
      %dma_wait3A_269 = tpu.memref_slice %arg3[%dma_wait3A_267, %dma_wait3A_268] : memref<8192x1024xf32, #tpu.memory_space<hbm>> -> memref<16x1024xf32, #tpu.memory_space<hbm>>
      tpu.wait_dma2 semaphore(%arg20 : memref<!tpu.dma_semaphore, #tpu.memory_space<semaphore_mem>>) src(%dma_wait3A_269 : memref<16x1024xf32, #tpu.memory_space<hbm>>) dst(%arg10 : memref<16x1024xf32, #tpu.memory_space<vmem>>)
      %dma_wait3A_270 = arith.constant 0 : i32
      %dma_wait3A_271 = arith.constant 0 : i32
      %dma_wait3A_272 = arith.constant 0 : i32
      %dma_wait3A_273 = tpu.memref_slice %arg4[%dma_wait3A_270, %dma_wait3A_271, %dma_wait3A_272] : memref<4x8192x1024xf32, #tpu.memory_space<hbm>> -> memref<1x16x1024xf32, #tpu.memory_space<hbm>>
      %dma_wait3A_274 = tpu.memref_squeeze %dma_wait3A_273 : memref<1x16x1024xf32, #tpu.memory_space<hbm>> -> memref<16x1024xf32, #tpu.memory_space<hbm>>
      %dma_wait3A_275 = arith.constant 0 : i32
      %dma_wait3A_276 = arith.constant 0 : i32
      %dma_wait3A_277 = tpu.memref_slice %arg4[%dma_wait3A_270, %dma_wait3A_275, %dma_wait3A_276] : memref<4x8192x1024xf32, #tpu.memory_space<hbm>> -> memref<1x16x1024xf32, #tpu.memory_space<hbm>>
      %dma_wait3A_278 = tpu.memref_squeeze %dma_wait3A_277 : memref<1x16x1024xf32, #tpu.memory_space<hbm>> -> memref<16x1024xf32, #tpu.memory_space<hbm>>
      tpu.wait_dma2 semaphore(%arg17 : memref<!tpu.dma_semaphore, #tpu.memory_space<semaphore_mem>>) src(%arg7 : memref<16x1024xf32, #tpu.memory_space<vmem>>) dst(%dma_wait3A_278 : memref<16x1024xf32, #tpu.memory_space<hbm>>)
      %mul3A_279 = arith.constant 2 : i32
      %mul3A_280 = arith.muli %mul3A_279, %scan3A_55 : i32
      %add3A_281 = arith.constant 1 : i32
      %add3A_282 = arith.addi %mul3A_280, %add3A_281 : i32
      %mul3A_283 = arith.constant 16 : i32
      %mul3A_284 = arith.muli %add3A_282, %mul3A_283 : i32
      %add3A_285 = arith.addi %mul3A_2, %mul3A_284 : i32
      %dma_start3A_286 = arith.constant 2 : i32
      %dma_start3A_287 = arith.constant 0 : i32
      %dma_start3A_288 = tpu.memref_slice %arg2[%dma_start3A_286, %add3A_285, %dma_start3A_287] : memref<4x8192x1024xf32, #tpu.memory_space<hbm>> -> memref<1x16x1024xf32, #tpu.memory_space<hbm>>
      %dma_start3A_289 = tpu.memref_squeeze %dma_start3A_288 : memref<1x16x1024xf32, #tpu.memory_space<hbm>> -> memref<16x1024xf32, #tpu.memory_space<hbm>>
      %dma_start3A_290 = arith.constant 0 : i32
      %dma_start3A_291 = tpu.memref_slice %arg2[%dma_start3A_286, %add3A_285, %dma_start3A_290] : memref<4x8192x1024xf32, #tpu.memory_space<hbm>> -> memref<1x16x1024xf32, #tpu.memory_space<hbm>>
      %dma_start3A_292 = tpu.memref_squeeze %dma_start3A_291 : memref<1x16x1024xf32, #tpu.memory_space<hbm>> -> memref<16x1024xf32, #tpu.memory_space<hbm>>
      tpu.enqueue_dma source(%dma_start3A_292 : memref<16x1024xf32, #tpu.memory_space<hbm>>) target(%arg7 : memref<16x1024xf32, #tpu.memory_space<vmem>>) target_semaphore(%arg13 : memref<!tpu.dma_semaphore, #tpu.memory_space<semaphore_mem>>)
      %parallel_loop3A_293 = arith.constant 0 : i32
      %parallel_loop3A_294 = arith.constant 16384 : i32
      %parallel_loop3A_295 = arith.constant 16 : i32
      scf.for %parallel_loop3A_441 = %parallel_loop3A_293 to %parallel_loop3A_294 step %parallel_loop3A_295  : i32 {
        %parallel_loop3A_442 = arith.constant 10 : i32
        %parallel_loop3A_443 = arith.shrsi %parallel_loop3A_441, %parallel_loop3A_442 : i32
        %parallel_loop3A_444 = arith.constant 1023 : i32
        %parallel_loop3A_445 = arith.andi %parallel_loop3A_441, %parallel_loop3A_444 : i32
        %parallel_loop3A_446 = tpu.assume_multiple %parallel_loop3A_445, 16 : i32
        %parallel_loop3A_447 = arith.index_cast %parallel_loop3A_443 : i32 to index
        %parallel_loop3A_448 = arith.index_cast %parallel_loop3A_446 : i32 to index
        %parallel_loop3A_449 = tpu.vector_load %arg10[%parallel_loop3A_447, %parallel_loop3A_448] {strides = array<i32>} : memref<16x1024xf32, #tpu.memory_space<vmem>>, vector<1x16xf32>,
        %parallel_loop3A_450 = vector.shape_cast %parallel_loop3A_449 : vector<1x16xf32> to vector<16xf32>
        %parallel_loop3A_451 = arith.index_cast %parallel_loop3A_443 : i32 to index
        %parallel_loop3A_452 = arith.index_cast %parallel_loop3A_446 : i32 to index
        %parallel_loop3A_453 = tpu.vector_load %arg5[%parallel_loop3A_451, %parallel_loop3A_452] {strides = array<i32>} : memref<16x1024xf32, #tpu.memory_space<vmem>>, vector<1x16xf32>,
        %parallel_loop3A_454 = vector.shape_cast %parallel_loop3A_453 : vector<1x16xf32> to vector<16xf32>
        %parallel_loop3A_455 = vector.shape_cast %parallel_loop3A_450 : vector<16xf32> to vector<1x16xf32>
        tpu.vector_store %arg5[%parallel_loop3A_451, %parallel_loop3A_452], %parallel_loop3A_455 {add = true, strides = array<i32>} : memref<16x1024xf32, #tpu.memory_space<vmem>>, vector<1x16xf32>,
      } {sc.loop_unroll_factor = 8 : i64, sc.parallel_access}
      %mul3A_296 = arith.constant 16 : i32
      %mul3A_297 = arith.muli %add3A_254, %mul3A_296 : i32
      %add3A_298 = arith.addi %mul3A_2, %mul3A_297 : i32
      %dma_start3A_299 = arith.constant 0 : i32
      %dma_start3A_300 = arith.constant 0 : i32
      %dma_start3A_301 = tpu.memref_slice %arg4[%dma_start3A_299, %add3A_298, %dma_start3A_300] : memref<4x8192x1024xf32, #tpu.memory_space<hbm>> -> memref<1x16x1024xf32, #tpu.memory_space<hbm>>
      %dma_start3A_302 = tpu.memref_squeeze %dma_start3A_301 : memref<1x16x1024xf32, #tpu.memory_space<hbm>> -> memref<16x1024xf32, #tpu.memory_space<hbm>>
      %dma_start3A_303 = arith.constant 0 : i32
      %dma_start3A_304 = tpu.memref_slice %arg4[%dma_start3A_299, %add3A_298, %dma_start3A_303] : memref<4x8192x1024xf32, #tpu.memory_space<hbm>> -> memref<1x16x1024xf32, #tpu.memory_space<hbm>>
      %dma_start3A_305 = tpu.memref_squeeze %dma_start3A_304 : memref<1x16x1024xf32, #tpu.memory_space<hbm>> -> memref<16x1024xf32, #tpu.memory_space<hbm>>
      tpu.enqueue_dma source(%arg5 : memref<16x1024xf32, #tpu.memory_space<vmem>>) target(%dma_start3A_305 : memref<16x1024xf32, #tpu.memory_space<hbm>>) target_semaphore(%arg15 : memref<!tpu.dma_semaphore, #tpu.memory_space<semaphore_mem>>)
      %mul3A_306 = arith.constant 2 : i32
      %mul3A_307 = arith.muli %mul3A_306, %scan3A_55 : i32
      %add3A_308 = arith.constant 1 : i32
      %add3A_309 = arith.addi %mul3A_307, %add3A_308 : i32
      %dma_wait3A_310 = arith.constant 0 : i32
      %dma_wait3A_311 = arith.constant 0 : i32
      %dma_wait3A_312 = arith.constant 0 : i32
      %dma_wait3A_313 = tpu.memref_slice %arg2[%dma_wait3A_310, %dma_wait3A_311, %dma_wait3A_312] : memref<4x8192x1024xf32, #tpu.memory_space<hbm>> -> memref<1x16x1024xf32, #tpu.memory_space<hbm>>
      %dma_wait3A_314 = tpu.memref_squeeze %dma_wait3A_313 : memref<1x16x1024xf32, #tpu.memory_space<hbm>> -> memref<16x1024xf32, #tpu.memory_space<hbm>>
      %dma_wait3A_315 = arith.constant 0 : i32
      %dma_wait3A_316 = arith.constant 0 : i32
      %dma_wait3A_317 = tpu.memref_slice %arg2[%dma_wait3A_310, %dma_wait3A_315, %dma_wait3A_316] : memref<4x8192x1024xf32, #tpu.memory_space<hbm>> -> memref<1x16x1024xf32, #tpu.memory_space<hbm>>
      %dma_wait3A_318 = tpu.memref_squeeze %dma_wait3A_317 : memref<1x16x1024xf32, #tpu.memory_space<hbm>> -> memref<16x1024xf32, #tpu.memory_space<hbm>>
      tpu.wait_dma2 semaphore(%arg12 : memref<!tpu.dma_semaphore, #tpu.memory_space<semaphore_mem>>) src(%dma_wait3A_318 : memref<16x1024xf32, #tpu.memory_space<hbm>>) dst(%arg6 : memref<16x1024xf32, #tpu.memory_space<vmem>>)
      %dma_wait3A_319 = arith.constant 0 : i32
      %dma_wait3A_320 = arith.constant 0 : i32
      %dma_wait3A_321 = arith.constant 0 : i32
      %dma_wait3A_322 = tpu.memref_slice %arg4[%dma_wait3A_319, %dma_wait3A_320, %dma_wait3A_321] : memref<4x8192x1024xf32, #tpu.memory_space<hbm>> -> memref<1x16x1024xf32, #tpu.memory_space<hbm>>
      %dma_wait3A_323 = tpu.memref_squeeze %dma_wait3A_322 : memref<1x16x1024xf32, #tpu.memory_space<hbm>> -> memref<16x1024xf32, #tpu.memory_space<hbm>>
      %dma_wait3A_324 = arith.constant 0 : i32
      %dma_wait3A_325 = arith.constant 0 : i32
      %dma_wait3A_326 = tpu.memref_slice %arg4[%dma_wait3A_319, %dma_wait3A_324, %dma_wait3A_325] : memref<4x8192x1024xf32, #tpu.memory_space<hbm>> -> memref<1x16x1024xf32, #tpu.memory_space<hbm>>
      %dma_wait3A_327 = tpu.memref_squeeze %dma_wait3A_326 : memref<1x16x1024xf32, #tpu.memory_space<hbm>> -> memref<16x1024xf32, #tpu.memory_space<hbm>>
      tpu.wait_dma2 semaphore(%arg18 : memref<!tpu.dma_semaphore, #tpu.memory_space<semaphore_mem>>) src(%arg8 : memref<16x1024xf32, #tpu.memory_space<vmem>>) dst(%dma_wait3A_327 : memref<16x1024xf32, #tpu.memory_space<hbm>>)
      %mul3A_328 = arith.constant 2 : i32
      %mul3A_329 = arith.muli %mul3A_328, %scan3A_55 : i32
      %add3A_330 = arith.constant 1 : i32
      %add3A_331 = arith.addi %mul3A_329, %add3A_330 : i32
      %mul3A_332 = arith.constant 16 : i32
      %mul3A_333 = arith.muli %add3A_331, %mul3A_332 : i32
      %add3A_334 = arith.addi %mul3A_2, %mul3A_333 : i32
      %dma_start3A_335 = arith.constant 3 : i32
      %dma_start3A_336 = arith.constant 0 : i32
      %dma_start3A_337 = tpu.memref_slice %arg2[%dma_start3A_335, %add3A_334, %dma_start3A_336] : memref<4x8192x1024xf32, #tpu.memory_space<hbm>> -> memref<1x16x1024xf32, #tpu.memory_space<hbm>>
      %dma_start3A_338 = tpu.memref_squeeze %dma_start3A_337 : memref<1x16x1024xf32, #tpu.memory_space<hbm>> -> memref<16x1024xf32, #tpu.memory_space<hbm>>
      %dma_start3A_339 = arith.constant 0 : i32
      %dma_start3A_340 = tpu.memref_slice %arg2[%dma_start3A_335, %add3A_334, %dma_start3A_339] : memref<4x8192x1024xf32, #tpu.memory_space<hbm>> -> memref<1x16x1024xf32, #tpu.memory_space<hbm>>
      %dma_start3A_341 = tpu.memref_squeeze %dma_start3A_340 : memref<1x16x1024xf32, #tpu.memory_space<hbm>> -> memref<16x1024xf32, #tpu.memory_space<hbm>>
      tpu.enqueue_dma source(%dma_start3A_341 : memref<16x1024xf32, #tpu.memory_space<hbm>>) target(%arg8 : memref<16x1024xf32, #tpu.memory_space<vmem>>) target_semaphore(%arg14 : memref<!tpu.dma_semaphore, #tpu.memory_space<semaphore_mem>>)
      %parallel_loop3A_342 = arith.constant 0 : i32
      %parallel_loop3A_343 = arith.constant 16384 : i32
      %parallel_loop3A_344 = arith.constant 16 : i32
      scf.for %parallel_loop3A_441 = %parallel_loop3A_342 to %parallel_loop3A_343 step %parallel_loop3A_344  : i32 {
        %parallel_loop3A_442 = arith.constant 10 : i32
        %parallel_loop3A_443 = arith.shrsi %parallel_loop3A_441, %parallel_loop3A_442 : i32
        %parallel_loop3A_444 = arith.constant 1023 : i32
        %parallel_loop3A_445 = arith.andi %parallel_loop3A_441, %parallel_loop3A_444 : i32
        %parallel_loop3A_446 = tpu.assume_multiple %parallel_loop3A_445, 16 : i32
        %parallel_loop3A_447 = arith.index_cast %parallel_loop3A_443 : i32 to index
        %parallel_loop3A_448 = arith.index_cast %parallel_loop3A_446 : i32 to index
        %parallel_loop3A_449 = tpu.vector_load %arg10[%parallel_loop3A_447, %parallel_loop3A_448] {strides = array<i32>} : memref<16x1024xf32, #tpu.memory_space<vmem>>, vector<1x16xf32>,
        %parallel_loop3A_450 = vector.shape_cast %parallel_loop3A_449 : vector<1x16xf32> to vector<16xf32>
        %parallel_loop3A_451 = arith.index_cast %parallel_loop3A_443 : i32 to index
        %parallel_loop3A_452 = arith.index_cast %parallel_loop3A_446 : i32 to index
        %parallel_loop3A_453 = tpu.vector_load %arg6[%parallel_loop3A_451, %parallel_loop3A_452] {strides = array<i32>} : memref<16x1024xf32, #tpu.memory_space<vmem>>, vector<1x16xf32>,
        %parallel_loop3A_454 = vector.shape_cast %parallel_loop3A_453 : vector<1x16xf32> to vector<16xf32>
        %parallel_loop3A_455 = vector.shape_cast %parallel_loop3A_450 : vector<16xf32> to vector<1x16xf32>
        tpu.vector_store %arg6[%parallel_loop3A_451, %parallel_loop3A_452], %parallel_loop3A_455 {add = true, strides = array<i32>} : memref<16x1024xf32, #tpu.memory_space<vmem>>, vector<1x16xf32>,
      } {sc.loop_unroll_factor = 8 : i64, sc.parallel_access}
      %mul3A_345 = arith.constant 16 : i32
      %mul3A_346 = arith.muli %add3A_309, %mul3A_345 : i32
      %add3A_347 = arith.addi %mul3A_2, %mul3A_346 : i32
      %dma_start3A_348 = arith.constant 1 : i32
      %dma_start3A_349 = arith.constant 0 : i32
      %dma_start3A_350 = tpu.memref_slice %arg4[%dma_start3A_348, %add3A_347, %dma_start3A_349] : memref<4x8192x1024xf32, #tpu.memory_space<hbm>> -> memref<1x16x1024xf32, #tpu.memory_space<hbm>>
      %dma_start3A_351 = tpu.memref_squeeze %dma_start3A_350 : memref<1x16x1024xf32, #tpu.memory_space<hbm>> -> memref<16x1024xf32, #tpu.memory_space<hbm>>
      %dma_start3A_352 = arith.constant 0 : i32
      %dma_start3A_353 = tpu.memref_slice %arg4[%dma_start3A_348, %add3A_347, %dma_start3A_352] : memref<4x8192x1024xf32, #tpu.memory_space<hbm>> -> memref<1x16x1024xf32, #tpu.memory_space<hbm>>
      %dma_start3A_354 = tpu.memref_squeeze %dma_start3A_353 : memref<1x16x1024xf32, #tpu.memory_space<hbm>> -> memref<16x1024xf32, #tpu.memory_space<hbm>>
      tpu.enqueue_dma source(%arg6 : memref<16x1024xf32, #tpu.memory_space<vmem>>) target(%dma_start3A_354 : memref<16x1024xf32, #tpu.memory_space<hbm>>) target_semaphore(%arg16 : memref<!tpu.dma_semaphore, #tpu.memory_space<semaphore_mem>>)
      %mul3A_355 = arith.constant 2 : i32
      %mul3A_356 = arith.muli %mul3A_355, %scan3A_55 : i32
      %add3A_357 = arith.constant 1 : i32
      %add3A_358 = arith.addi %mul3A_356, %add3A_357 : i32
      %dma_wait3A_359 = arith.constant 0 : i32
      %dma_wait3A_360 = arith.constant 0 : i32
      %dma_wait3A_361 = arith.constant 0 : i32
      %dma_wait3A_362 = tpu.memref_slice %arg2[%dma_wait3A_359, %dma_wait3A_360, %dma_wait3A_361] : memref<4x8192x1024xf32, #tpu.memory_space<hbm>> -> memref<1x16x1024xf32, #tpu.memory_space<hbm>>
      %dma_wait3A_363 = tpu.memref_squeeze %dma_wait3A_362 : memref<1x16x1024xf32, #tpu.memory_space<hbm>> -> memref<16x1024xf32, #tpu.memory_space<hbm>>
      %dma_wait3A_364 = arith.constant 0 : i32
      %dma_wait3A_365 = arith.constant 0 : i32
      %dma_wait3A_366 = tpu.memref_slice %arg2[%dma_wait3A_359, %dma_wait3A_364, %dma_wait3A_365] : memref<4x8192x1024xf32, #tpu.memory_space<hbm>> -> memref<1x16x1024xf32, #tpu.memory_space<hbm>>
      %dma_wait3A_367 = tpu.memref_squeeze %dma_wait3A_366 : memref<1x16x1024xf32, #tpu.memory_space<hbm>> -> memref<16x1024xf32, #tpu.memory_space<hbm>>
      tpu.wait_dma2 semaphore(%arg13 : memref<!tpu.dma_semaphore, #tpu.memory_space<semaphore_mem>>) src(%dma_wait3A_367 : memref<16x1024xf32, #tpu.memory_space<hbm>>) dst(%arg7 : memref<16x1024xf32, #tpu.memory_space<vmem>>)
      %dma_wait3A_368 = arith.constant 0 : i32
      %dma_wait3A_369 = arith.constant 0 : i32
      %dma_wait3A_370 = arith.constant 0 : i32
      %dma_wait3A_371 = tpu.memref_slice %arg4[%dma_wait3A_368, %dma_wait3A_369, %dma_wait3A_370] : memref<4x8192x1024xf32, #tpu.memory_space<hbm>> -> memref<1x16x1024xf32, #tpu.memory_space<hbm>>
      %dma_wait3A_372 = tpu.memref_squeeze %dma_wait3A_371 : memref<1x16x1024xf32, #tpu.memory_space<hbm>> -> memref<16x1024xf32, #tpu.memory_space<hbm>>
      %dma_wait3A_373 = arith.constant 0 : i32
      %dma_wait3A_374 = arith.constant 0 : i32
      %dma_wait3A_375 = tpu.memref_slice %arg4[%dma_wait3A_368, %dma_wait3A_373, %dma_wait3A_374] : memref<4x8192x1024xf32, #tpu.memory_space<hbm>> -> memref<1x16x1024xf32, #tpu.memory_space<hbm>>
      %dma_wait3A_376 = tpu.memref_squeeze %dma_wait3A_375 : memref<1x16x1024xf32, #tpu.memory_space<hbm>> -> memref<16x1024xf32, #tpu.memory_space<hbm>>
      tpu.wait_dma2 semaphore(%arg15 : memref<!tpu.dma_semaphore, #tpu.memory_space<semaphore_mem>>) src(%arg5 : memref<16x1024xf32, #tpu.memory_space<vmem>>) dst(%dma_wait3A_376 : memref<16x1024xf32, #tpu.memory_space<hbm>>)
      %lt3A_377 = arith.constant 7 : i32
      %lt3A_378 = arith.cmpi slt, %scan3A_55, %lt3A_377 : i32
      %convert_element_type3A_379 = arith.extui %lt3A_378 : i1 to i32
      %cond3A_380 = arith.constant 0 : i32
      %cond3A_381 = arith.cmpi ne, %convert_element_type3A_379, %cond3A_380 : i32
      scf.if %cond3A_381 {
        %add3A_441 = arith.constant 1 : i32
        %add3A_442 = arith.addi %scan3A_55, %add3A_441 : i32
        %mul3A_443 = arith.constant 2 : i32
        %mul3A_444 = arith.muli %mul3A_443, %add3A_442 : i32
        %add3A_445 = arith.constant 0 : i32
        %add3A_446 = arith.addi %mul3A_444, %add3A_445 : i32
        %mul3A_447 = arith.constant 16 : i32
        %mul3A_448 = arith.muli %add3A_446, %mul3A_447 : i32
        %add3A_449 = arith.addi %mul3A_2, %mul3A_448 : i32
        %dma_start3A_450 = arith.constant 0 : i32
        %dma_start3A_451 = arith.constant 0 : i32
        %dma_start3A_452 = tpu.memref_slice %arg2[%dma_start3A_450, %add3A_449, %dma_start3A_451] : memref<4x8192x1024xf32, #tpu.memory_space<hbm>> -> memref<1x16x1024xf32, #tpu.memory_space<hbm>>
        %dma_start3A_453 = tpu.memref_squeeze %dma_start3A_452 : memref<1x16x1024xf32, #tpu.memory_space<hbm>> -> memref<16x1024xf32, #tpu.memory_space<hbm>>
        %dma_start3A_454 = arith.constant 0 : i32
        %dma_start3A_455 = tpu.memref_slice %arg2[%dma_start3A_450, %add3A_449, %dma_start3A_454] : memref<4x8192x1024xf32, #tpu.memory_space<hbm>> -> memref<1x16x1024xf32, #tpu.memory_space<hbm>>
        %dma_start3A_456 = tpu.memref_squeeze %dma_start3A_455 : memref<1x16x1024xf32, #tpu.memory_space<hbm>> -> memref<16x1024xf32, #tpu.memory_space<hbm>>
        tpu.enqueue_dma source(%dma_start3A_456 : memref<16x1024xf32, #tpu.memory_space<hbm>>) target(%arg5 : memref<16x1024xf32, #tpu.memory_space<vmem>>) target_semaphore(%arg11 : memref<!tpu.dma_semaphore, #tpu.memory_space<semaphore_mem>>)
      } else {
      }
      %parallel_loop3A_382 = arith.constant 0 : i32
      %parallel_loop3A_383 = arith.constant 16384 : i32
      %parallel_loop3A_384 = arith.constant 16 : i32
      scf.for %parallel_loop3A_441 = %parallel_loop3A_382 to %parallel_loop3A_383 step %parallel_loop3A_384  : i32 {
        %parallel_loop3A_442 = arith.constant 10 : i32
        %parallel_loop3A_443 = arith.shrsi %parallel_loop3A_441, %parallel_loop3A_442 : i32
        %parallel_loop3A_444 = arith.constant 1023 : i32
        %parallel_loop3A_445 = arith.andi %parallel_loop3A_441, %parallel_loop3A_444 : i32
        %parallel_loop3A_446 = tpu.assume_multiple %parallel_loop3A_445, 16 : i32
        %parallel_loop3A_447 = arith.index_cast %parallel_loop3A_443 : i32 to index
        %parallel_loop3A_448 = arith.index_cast %parallel_loop3A_446 : i32 to index
        %parallel_loop3A_449 = tpu.vector_load %arg10[%parallel_loop3A_447, %parallel_loop3A_448] {strides = array<i32>} : memref<16x1024xf32, #tpu.memory_space<vmem>>, vector<1x16xf32>,
        %parallel_loop3A_450 = vector.shape_cast %parallel_loop3A_449 : vector<1x16xf32> to vector<16xf32>
        %parallel_loop3A_451 = arith.index_cast %parallel_loop3A_443 : i32 to index
        %parallel_loop3A_452 = arith.index_cast %parallel_loop3A_446 : i32 to index
        %parallel_loop3A_453 = tpu.vector_load %arg7[%parallel_loop3A_451, %parallel_loop3A_452] {strides = array<i32>} : memref<16x1024xf32, #tpu.memory_space<vmem>>, vector<1x16xf32>,
        %parallel_loop3A_454 = vector.shape_cast %parallel_loop3A_453 : vector<1x16xf32> to vector<16xf32>
        %parallel_loop3A_455 = vector.shape_cast %parallel_loop3A_450 : vector<16xf32> to vector<1x16xf32>
        tpu.vector_store %arg7[%parallel_loop3A_451, %parallel_loop3A_452], %parallel_loop3A_455 {add = true, strides = array<i32>} : memref<16x1024xf32, #tpu.memory_space<vmem>>, vector<1x16xf32>,
      } {sc.loop_unroll_factor = 8 : i64, sc.parallel_access}
      %mul3A_385 = arith.constant 16 : i32
      %mul3A_386 = arith.muli %add3A_358, %mul3A_385 : i32
      %add3A_387 = arith.addi %mul3A_2, %mul3A_386 : i32
      %dma_start3A_388 = arith.constant 2 : i32
      %dma_start3A_389 = arith.constant 0 : i32
      %dma_start3A_390 = tpu.memref_slice %arg4[%dma_start3A_388, %add3A_387, %dma_start3A_389] : memref<4x8192x1024xf32, #tpu.memory_space<hbm>> -> memref<1x16x1024xf32, #tpu.memory_space<hbm>>
      %dma_start3A_391 = tpu.memref_squeeze %dma_start3A_390 : memref<1x16x1024xf32, #tpu.memory_space<hbm>> -> memref<16x1024xf32, #tpu.memory_space<hbm>>
      %dma_start3A_392 = arith.constant 0 : i32
      %dma_start3A_393 = tpu.memref_slice %arg4[%dma_start3A_388, %add3A_387, %dma_start3A_392] : memref<4x8192x1024xf32, #tpu.memory_space<hbm>> -> memref<1x16x1024xf32, #tpu.memory_space<hbm>>
      %dma_start3A_394 = tpu.memref_squeeze %dma_start3A_393 : memref<1x16x1024xf32, #tpu.memory_space<hbm>> -> memref<16x1024xf32, #tpu.memory_space<hbm>>
      tpu.enqueue_dma source(%arg7 : memref<16x1024xf32, #tpu.memory_space<vmem>>) target(%dma_start3A_394 : memref<16x1024xf32, #tpu.memory_space<hbm>>) target_semaphore(%arg17 : memref<!tpu.dma_semaphore, #tpu.memory_space<semaphore_mem>>)
      %mul3A_395 = arith.constant 2 : i32
      %mul3A_396 = arith.muli %mul3A_395, %scan3A_55 : i32
      %add3A_397 = arith.constant 1 : i32
      %add3A_398 = arith.addi %mul3A_396, %add3A_397 : i32
      %dma_wait3A_399 = arith.constant 0 : i32
      %dma_wait3A_400 = arith.constant 0 : i32
      %dma_wait3A_401 = arith.constant 0 : i32
      %dma_wait3A_402 = tpu.memref_slice %arg2[%dma_wait3A_399, %dma_wait3A_400, %dma_wait3A_401] : memref<4x8192x1024xf32, #tpu.memory_space<hbm>> -> memref<1x16x1024xf32, #tpu.memory_space<hbm>>
      %dma_wait3A_403 = tpu.memref_squeeze %dma_wait3A_402 : memref<1x16x1024xf32, #tpu.memory_space<hbm>> -> memref<16x1024xf32, #tpu.memory_space<hbm>>
      %dma_wait3A_404 = arith.constant 0 : i32
      %dma_wait3A_405 = arith.constant 0 : i32
      %dma_wait3A_406 = tpu.memref_slice %arg2[%dma_wait3A_399, %dma_wait3A_404, %dma_wait3A_405] : memref<4x8192x1024xf32, #tpu.memory_space<hbm>> -> memref<1x16x1024xf32, #tpu.memory_space<hbm>>
      %dma_wait3A_407 = tpu.memref_squeeze %dma_wait3A_406 : memref<1x16x1024xf32, #tpu.memory_space<hbm>> -> memref<16x1024xf32, #tpu.memory_space<hbm>>
      tpu.wait_dma2 semaphore(%arg14 : memref<!tpu.dma_semaphore, #tpu.memory_space<semaphore_mem>>) src(%dma_wait3A_407 : memref<16x1024xf32, #tpu.memory_space<hbm>>) dst(%arg8 : memref<16x1024xf32, #tpu.memory_space<vmem>>)
      %dma_wait3A_408 = arith.constant 0 : i32
      %dma_wait3A_409 = arith.constant 0 : i32
      %dma_wait3A_410 = arith.constant 0 : i32
      %dma_wait3A_411 = tpu.memref_slice %arg4[%dma_wait3A_408, %dma_wait3A_409, %dma_wait3A_410] : memref<4x8192x1024xf32, #tpu.memory_space<hbm>> -> memref<1x16x1024xf32, #tpu.memory_space<hbm>>
      %dma_wait3A_412 = tpu.memref_squeeze %dma_wait3A_411 : memref<1x16x1024xf32, #tpu.memory_space<hbm>> -> memref<16x1024xf32, #tpu.memory_space<hbm>>
      %dma_wait3A_413 = arith.constant 0 : i32
      %dma_wait3A_414 = arith.constant 0 : i32
      %dma_wait3A_415 = tpu.memref_slice %arg4[%dma_wait3A_408, %dma_wait3A_413, %dma_wait3A_414] : memref<4x8192x1024xf32, #tpu.memory_space<hbm>> -> memref<1x16x1024xf32, #tpu.memory_space<hbm>>
      %dma_wait3A_416 = tpu.memref_squeeze %dma_wait3A_415 : memref<1x16x1024xf32, #tpu.memory_space<hbm>> -> memref<16x1024xf32, #tpu.memory_space<hbm>>
      tpu.wait_dma2 semaphore(%arg16 : memref<!tpu.dma_semaphore, #tpu.memory_space<semaphore_mem>>) src(%arg6 : memref<16x1024xf32, #tpu.memory_space<vmem>>) dst(%dma_wait3A_416 : memref<16x1024xf32, #tpu.memory_space<hbm>>)
      %lt3A_417 = arith.constant 7 : i32
      %lt3A_418 = arith.cmpi slt, %scan3A_55, %lt3A_417 : i32
      %convert_element_type3A_419 = arith.extui %lt3A_418 : i1 to i32
      %cond3A_420 = arith.constant 0 : i32
      %cond3A_421 = arith.cmpi ne, %convert_element_type3A_419, %cond3A_420 : i32
      scf.if %cond3A_421 {
        %add3A_441 = arith.constant 1 : i32
        %add3A_442 = arith.addi %scan3A_55, %add3A_441 : i32
        %mul3A_443 = arith.constant 2 : i32
        %mul3A_444 = arith.muli %mul3A_443, %add3A_442 : i32
        %add3A_445 = arith.constant 0 : i32
        %add3A_446 = arith.addi %mul3A_444, %add3A_445 : i32
        %mul3A_447 = arith.constant 16 : i32
        %mul3A_448 = arith.muli %add3A_446, %mul3A_447 : i32
        %add3A_449 = arith.addi %mul3A_2, %mul3A_448 : i32
        %dma_start3A_450 = arith.constant 1 : i32
        %dma_start3A_451 = arith.constant 0 : i32
        %dma_start3A_452 = tpu.memref_slice %arg2[%dma_start3A_450, %add3A_449, %dma_start3A_451] : memref<4x8192x1024xf32, #tpu.memory_space<hbm>> -> memref<1x16x1024xf32, #tpu.memory_space<hbm>>
        %dma_start3A_453 = tpu.memref_squeeze %dma_start3A_452 : memref<1x16x1024xf32, #tpu.memory_space<hbm>> -> memref<16x1024xf32, #tpu.memory_space<hbm>>
        %dma_start3A_454 = arith.constant 0 : i32
        %dma_start3A_455 = tpu.memref_slice %arg2[%dma_start3A_450, %add3A_449, %dma_start3A_454] : memref<4x8192x1024xf32, #tpu.memory_space<hbm>> -> memref<1x16x1024xf32, #tpu.memory_space<hbm>>
        %dma_start3A_456 = tpu.memref_squeeze %dma_start3A_455 : memref<1x16x1024xf32, #tpu.memory_space<hbm>> -> memref<16x1024xf32, #tpu.memory_space<hbm>>
        tpu.enqueue_dma source(%dma_start3A_456 : memref<16x1024xf32, #tpu.memory_space<hbm>>) target(%arg6 : memref<16x1024xf32, #tpu.memory_space<vmem>>) target_semaphore(%arg12 : memref<!tpu.dma_semaphore, #tpu.memory_space<semaphore_mem>>)
      } else {
      }
      %parallel_loop3A_422 = arith.constant 0 : i32
      %parallel_loop3A_423 = arith.constant 16384 : i32
      %parallel_loop3A_424 = arith.constant 16 : i32
      scf.for %parallel_loop3A_441 = %parallel_loop3A_422 to %parallel_loop3A_423 step %parallel_loop3A_424  : i32 {
        %parallel_loop3A_442 = arith.constant 10 : i32
        %parallel_loop3A_443 = arith.shrsi %parallel_loop3A_441, %parallel_loop3A_442 : i32
        %parallel_loop3A_444 = arith.constant 1023 : i32
        %parallel_loop3A_445 = arith.andi %parallel_loop3A_441, %parallel_loop3A_444 : i32
        %parallel_loop3A_446 = tpu.assume_multiple %parallel_loop3A_445, 16 : i32
        %parallel_loop3A_447 = arith.index_cast %parallel_loop3A_443 : i32 to index
        %parallel_loop3A_448 = arith.index_cast %parallel_loop3A_446 : i32 to index
        %parallel_loop3A_449 = tpu.vector_load %arg10[%parallel_loop3A_447, %parallel_loop3A_448] {strides = array<i32>} : memref<16x1024xf32, #tpu.memory_space<vmem>>, vector<1x16xf32>,
        %parallel_loop3A_450 = vector.shape_cast %parallel_loop3A_449 : vector<1x16xf32> to vector<16xf32>
        %parallel_loop3A_451 = arith.index_cast %parallel_loop3A_443 : i32 to index
        %parallel_loop3A_452 = arith.index_cast %parallel_loop3A_446 : i32 to index
        %parallel_loop3A_453 = tpu.vector_load %arg8[%parallel_loop3A_451, %parallel_loop3A_452] {strides = array<i32>} : memref<16x1024xf32, #tpu.memory_space<vmem>>, vector<1x16xf32>,
        %parallel_loop3A_454 = vector.shape_cast %parallel_loop3A_453 : vector<1x16xf32> to vector<16xf32>
        %parallel_loop3A_455 = vector.shape_cast %parallel_loop3A_450 : vector<16xf32> to vector<1x16xf32>
        tpu.vector_store %arg8[%parallel_loop3A_451, %parallel_loop3A_452], %parallel_loop3A_455 {add = true, strides = array<i32>} : memref<16x1024xf32, #tpu.memory_space<vmem>>, vector<1x16xf32>,
      } {sc.loop_unroll_factor = 8 : i64, sc.parallel_access}
      %mul3A_425 = arith.constant 16 : i32
      %mul3A_426 = arith.muli %add3A_398, %mul3A_425 : i32
      %add3A_427 = arith.addi %mul3A_2, %mul3A_426 : i32
      %dma_start3A_428 = arith.constant 3 : i32
      %dma_start3A_429 = arith.constant 0 : i32
      %dma_start3A_430 = tpu.memref_slice %arg4[%dma_start3A_428, %add3A_427, %dma_start3A_429] : memref<4x8192x1024xf32, #tpu.memory_space<hbm>> -> memref<1x16x1024xf32, #tpu.memory_space<hbm>>
      %dma_start3A_431 = tpu.memref_squeeze %dma_start3A_430 : memref<1x16x1024xf32, #tpu.memory_space<hbm>> -> memref<16x1024xf32, #tpu.memory_space<hbm>>
      %dma_start3A_432 = arith.constant 0 : i32
      %dma_start3A_433 = tpu.memref_slice %arg4[%dma_start3A_428, %add3A_427, %dma_start3A_432] : memref<4x8192x1024xf32, #tpu.memory_space<hbm>> -> memref<1x16x1024xf32, #tpu.memory_space<hbm>>
      %dma_start3A_434 = tpu.memref_squeeze %dma_start3A_433 : memref<1x16x1024xf32, #tpu.memory_space<hbm>> -> memref<16x1024xf32, #tpu.memory_space<hbm>>
      tpu.enqueue_dma source(%arg8 : memref<16x1024xf32, #tpu.memory_space<vmem>>) target(%dma_start3A_434 : memref<16x1024xf32, #tpu.memory_space<hbm>>) target_semaphore(%arg18 : memref<!tpu.dma_semaphore, #tpu.memory_space<semaphore_mem>>)
      %lt3A_435 = arith.constant 7 : i32
      %lt3A_436 = arith.cmpi slt, %scan3A_55, %lt3A_435 : i32
      %convert_element_type3A_437 = arith.extui %lt3A_436 : i1 to i32
      %cond3A_438 = arith.constant 0 : i32
      %cond3A_439 = arith.cmpi ne, %convert_element_type3A_437, %cond3A_438 : i32
      scf.if %cond3A_439 {
        %mul3A_441 = arith.constant 2 : i32
        %mul3A_442 = arith.muli %mul3A_441, %scan3A_55 : i32
        %add3A_443 = arith.constant 2 : i32
        %add3A_444 = arith.addi %mul3A_442, %add3A_443 : i32
        %add3A_445 = arith.constant 1 : i32
        %add3A_446 = arith.addi %add3A_444, %add3A_445 : i32
        %mul3A_447 = arith.constant 16 : i32
        %mul3A_448 = arith.muli %add3A_446, %mul3A_447 : i32
        %add3A_449 = arith.addi %mul3A_2, %mul3A_448 : i32
        %dma_start3A_450 = arith.constant 0 : i32
        %dma_start3A_451 = tpu.memref_slice %arg3[%add3A_449, %dma_start3A_450] : memref<8192x1024xf32, #tpu.memory_space<hbm>> -> memref<16x1024xf32, #tpu.memory_space<hbm>>
        %dma_start3A_452 = arith.constant 0 : i32
        %dma_start3A_453 = tpu.memref_slice %arg3[%add3A_449, %dma_start3A_452] : memref<8192x1024xf32, #tpu.memory_space<hbm>> -> memref<16x1024xf32, #tpu.memory_space<hbm>>
        tpu.enqueue_dma source(%dma_start3A_453 : memref<16x1024xf32, #tpu.memory_space<hbm>>) target(%arg10 : memref<16x1024xf32, #tpu.memory_space<vmem>>) target_semaphore(%arg20 : memref<!tpu.dma_semaphore, #tpu.memory_space<semaphore_mem>>)
      } else {
      }
      %scan3A_440 = arith.constant 0 : i32
      scf.yield %scan3A_440 : i32
    }
    %scan3A_37 = arith.constant 8 : i32
    %dma_wait3A = arith.constant 0 : i32
    %dma_wait3A_38 = arith.constant 0 : i32
    %dma_wait3A_39 = arith.constant 0 : i32
    %dma_wait3A_40 = tpu.memref_slice %arg4[%dma_wait3A, %dma_wait3A_38, %dma_wait3A_39] : memref<4x8192x1024xf32, #tpu.memory_space<hbm>> -> memref<1x16x1024xf32, #tpu.memory_space<hbm>>
    %dma_wait3A_41 = tpu.memref_squeeze %dma_wait3A_40 : memref<1x16x1024xf32, #tpu.memory_space<hbm>> -> memref<16x1024xf32, #tpu.memory_space<hbm>>
    %dma_wait3A_42 = arith.constant 0 : i32
    %dma_wait3A_43 = arith.constant 0 : i32
    %dma_wait3A_44 = tpu.memref_slice %arg4[%dma_wait3A, %dma_wait3A_42, %dma_wait3A_43] : memref<4x8192x1024xf32, #tpu.memory_space<hbm>> -> memref<1x16x1024xf32, #tpu.memory_space<hbm>>
    %dma_wait3A_45 = tpu.memref_squeeze %dma_wait3A_44 : memref<1x16x1024xf32, #tpu.memory_space<hbm>> -> memref<16x1024xf32, #tpu.memory_space<hbm>>
    tpu.wait_dma2 semaphore(%arg17 : memref<!tpu.dma_semaphore, #tpu.memory_space<semaphore_mem>>) src(%arg7 : memref<16x1024xf32, #tpu.memory_space<vmem>>) dst(%dma_wait3A_45 : memref<16x1024xf32, #tpu.memory_space<hbm>>)
    %dma_wait3A_46 = arith.constant 0 : i32
    %dma_wait3A_47 = arith.constant 0 : i32
    %dma_wait3A_48 = arith.constant 0 : i32
    %dma_wait3A_49 = tpu.memref_slice %arg4[%dma_wait3A_46, %dma_wait3A_47, %dma_wait3A_48] : memref<4x8192x1024xf32, #tpu.memory_space<hbm>> -> memref<1x16x1024xf32, #tpu.memory_space<hbm>>
    %dma_wait3A_50 = tpu.memref_squeeze %dma_wait3A_49 : memref<1x16x1024xf32, #tpu.memory_space<hbm>> -> memref<16x1024xf32, #tpu.memory_space<hbm>>
    %dma_wait3A_51 = arith.constant 0 : i32
    %dma_wait3A_52 = arith.constant 0 : i32
    %dma_wait3A_53 = tpu.memref_slice %arg4[%dma_wait3A_46, %dma_wait3A_51, %dma_wait3A_52] : memref<4x8192x1024xf32, #tpu.memory_space<hbm>> -> memref<1x16x1024xf32, #tpu.memory_space<hbm>>
    %dma_wait3A_54 = tpu.memref_squeeze %dma_wait3A_53 : memref<1x16x1024xf32, #tpu.memory_space<hbm>> -> memref<16x1024xf32, #tpu.memory_space<hbm>>
    tpu.wait_dma2 semaphore(%arg18 : memref<!tpu.dma_semaphore, #tpu.memory_space<semaphore_mem>>) src(%arg8 : memref<16x1024xf32, #tpu.memory_space<vmem>>) dst(%dma_wait3A_54 : memref<16x1024xf32, #tpu.memory_space<hbm>>)
    return
  }
}

</mosaic_0001>

<sc_bundles>
// kernel: kernel.3.cloned.1.call-start
scs
__scs_entry_jumppad:
0x0: {  	(pc) =	sbr.rel $0x88, $3  }
0x1: {  	(tag) =	ssettag $0x0;
	lr =	simm.s32 $0x1  }
0x2: {  	[smem:$0x3F9F] =	sst lr;
	_ =	strace $0xD0000000  }
0x3: {  	_ = 	snop  }
0x4: {  	_ = 	snop  }
0x5: {  	_ = 	snop  }
0x6: {  	_ = 	snop  }
0x7: {  	_ = 	snop  }
__scs_overlays_trampoline_lowered:
0x8: {  	[smem:$0x3FAE] =	sst s0  }
0x9: {  	[smem:$0x3FAF] =	sst s1  }
0xa: {  	[smem:$0x3FB0] =	sst s2  }
0xb: {  	[smem:$0x3FB1] =	sst s3  }
0xc: {  	[smem:$0x3FB2] =	sst s4  }
0xd: {  	[smem:$0x3FB3] =	sst s5  }
0xe: {  	[smem:$0x3FB4] =	sst s6  }
0xf: {  	[smem:$0x3FB5] =	sst s7  }
0x10: {  	[smem:$0x3FB6] =	sst s8  }
0x11: {  	[smem:$0x3FB7] =	sst s9;
	s0 =	simm.s32 @!p0 $0x0  }
0x12: {  	s1 =	sld [smem:$0x3F9D];
	s0 =	simm.s32 @p0 $0x1  }
0x13: {  	[smem:$0x3FB8] =	sst s0;
	s0 =	simm.s32 @!p1 $0x0  }
0x14: {  	s2 =	sld [smem:$0x3F9C];
	s0 =	simm.s32 @p1 $0x1  }
0x15: {  	[smem:$0x3FB9] =	sst s0;
	s0 =	simm.s32 @!p2 $0x0  }
0x16: {  	s3 =	sld [smem:$0x3FDB];
	s0 =	simm.s32 @p2 $0x1  }
0x17: {  	s4 =	simm.s32 $0x1BF5;
	[smem:$0x3FBB] =	sst s0  }
0x18: {  	s0 =	sld [smem:$0x3F9E];
	_ =	swait.ge [sflag:s4], $0x0  }
0x19: {  	s7 =	sld [smem:$0x3F9F]  }
0x1a: {  	s8 =	sadd.s32 $0xFFFFE003, lr  }
0x1b: {  	s9 =	sadd.s32 $0xFFFFFEF7, lr;
	s5 =	simm.s32 $0xFFFFFFFF;
	p2 =	slt.u32 s8, $0xFFFFF086  }
0x1c: {  	p1 =	slt.u32 s9, $0xF7A;
	s5 =	simm.s32 @!p2 $0x0  }
0x1d: {  	s5 =	simm.s32 @p1 $0x1;
	p0 =	seq.s32 s7, s2  }
0x1e: {  	s7 =	smul.u32 @!p0 $0xF7A, s2;
	p2 =	seq.s32 @!p0 s5, $0x0  }
0x1f: {  	s9 =	smul.u32 $0xF7A, s1;
	s8 =	simm.s32 @!p0 $0x1BF5;
	p2 =	por !p2, p0  }
0x20: {  	[sflag:s8] =	ssyncset.s32 @!p0 $0xFFFFF086;
	s6 =	sadd.s32 @!p0 s3, s7;
	s7 =	simm.s32 @!p0 $0x108  }
0x21: {  	s3 =	sadd.s32 s3, s9;
	s6 =	sadd.s32 @!p0 $0x88, s6;
	s7 =	simm.s32 @p2 $0x1082  }
0x22: {  	[simem:s7], [sflag:s8] =	dma.local @!p0 [hbm:s6], $0xF7A  }
0x23: {  	s9 =	sor.u32 $0xD0000000, s2;
	s6 =	simm.s32 $0x108;
	_ =	swait.ge @!p0 [sflag:s8], $0x0  }
0x24: {  	s3 =	sadd.s32 $0x88, s3;
	s6 =	simm.s32 @!p1 $0x1082;
	[sflag:s4] =	ssyncset.s32 $0xFFFFF086  }
0x25: {  	[simem:s6], [sflag:s4] =	dma.local [hbm:s3], $0xF7A  }
0x26: {  	[smem:$0x3F9F] =	sst s1;
	(tag) =	ssettag s2;
	_ =	strace s9  }
0x27: {  	s1 =	sld [smem:$0x3FAF]  }
0x28: {  	s2 =	sld [smem:$0x3FB0]  }
0x29: {  	s4 =	sld [smem:$0x3FB2]  }
0x2a: {  	p0 =	seq.s32 s5, $0x0;
	s5 =	sld [smem:$0x3FB3]  }
0x2b: {  	s6 =	sld [smem:$0x3FB4]  }
0x2c: {  	s7 =	sld [smem:$0x3FB5]  }
0x2d: {  	s3 =	simm.s32 $0x108;
	s8 =	sld [smem:$0x3FB6]  }
0x2e: {  	s3 =	simm.s32 @!p0 $0x1082;
	s9 =	sld [smem:$0x3FB7]  }
0x2f: {  	lr =	sadd.s32 s0, s3;
	s0 =	sld [smem:$0x3FAE]  }
0x30: {  	s3 =	sld [smem:$0x3FB1]  }
0x31: {  	[smem:$0x3FBA] =	sst s10  }
0x32: {  	s10 =	sld [smem:$0x3FB8];
	_ =	sdelay $0x3  }
0x33: {  	p0 =	seq.s32 s10, $0x1;
	s10 =	sld [smem:$0x3FBA];
	_ =	sdelay $0x3  }
0x34: {  	[smem:$0x3FBA] =	sst s10  }
0x35: {  	s10 =	sld [smem:$0x3FB9];
	_ =	sdelay $0x3  }
0x36: {  	p1 =	seq.s32 s10, $0x1;
	s10 =	sld [smem:$0x3FBA];
	_ =	sdelay $0x3  }
0x37: {  	[smem:$0x3FBA] =	sst s10  }
0x38: {  	s10 =	sld [smem:$0x3FBB]  }
0x39: {  	_ = 	snop;
	(pc) =	sbr.ind lr, $3  }
0x3a: {  	_ = 	snop  }
0x3b: {  	_ = 	snop  }
0x3c: {  	p2 =	seq.s32 s10, $0x1;
	s10 =	sld [smem:$0x3FBA]  }
0x3d: {  	_ =	shalt  }
0x3e: {  	_ =	shalt  }
0x3f: {  	_ =	shalt  }
0x40: {  	_ =	shalt  }
0x41: {  	_ =	shalt  }
0x42: {  	_ =	shalt  }
0x43: {  	_ =	shalt  }
0x44: {  	_ =	shalt  }
0x45: {  	_ =	shalt  }
0x46: {  	_ =	shalt  }
0x47: {  	_ =	shalt  }
0x48: {  	_ =	shalt  }
0x49: {  	_ =	shalt  }
0x4a: {  	_ =	shalt  }
0x4b: {  	_ =	shalt  }
0x4c: {  	_ =	shalt  }
0x4d: {  	_ =	shalt  }
0x4e: {  	_ =	shalt  }
0x4f: {  	_ =	shalt  }
0x50: {  	_ =	shalt  }
0x51: {  	_ =	shalt  }
0x52: {  	_ =	shalt  }
0x53: {  	_ =	shalt  }
0x54: {  	_ =	shalt  }
0x55: {  	_ =	shalt  }
0x56: {  	_ =	shalt  }
0x57: {  	_ =	shalt  }
0x58: {  	_ =	shalt  }
0x59: {  	_ =	shalt  }
0x5a: {  	_ =	shalt  }
0x5b: {  	_ =	shalt  }
0x5c: {  	_ =	shalt  }
0x5d: {  	_ =	shalt  }
0x5e: {  	_ =	shalt  }
0x5f: {  	_ =	shalt  }
0x60: {  	_ =	shalt  }
0x61: {  	_ =	shalt  }
0x62: {  	_ =	shalt  }
0x63: {  	_ =	shalt  }
0x64: {  	_ =	shalt  }
0x65: {  	_ =	shalt  }
0x66: {  	_ =	shalt  }
0x67: {  	_ =	shalt  }
0x68: {  	_ =	shalt  }
0x69: {  	_ =	shalt  }
0x6a: {  	_ =	shalt  }
0x6b: {  	_ =	shalt  }
0x6c: {  	_ =	shalt  }
0x6d: {  	_ =	shalt  }
0x6e: {  	_ =	shalt  }
0x6f: {  	_ =	shalt  }
0x70: {  	_ =	shalt  }
0x71: {  	_ =	shalt  }
0x72: {  	_ =	shalt  }
0x73: {  	_ =	shalt  }
0x74: {  	_ =	shalt  }
0x75: {  	_ =	shalt  }
0x76: {  	_ =	shalt  }
0x77: {  	_ =	shalt  }
0x78: {  	_ =	shalt  }
0x79: {  	_ =	shalt  }
0x7a: {  	_ =	shalt  }
0x7b: {  	_ =	shalt  }
0x7c: {  	_ =	shalt  }
0x7d: {  	_ =	shalt  }
0x7e: {  	_ =	shalt  }
0x7f: {  	_ =	shalt  }
0x80: {  	_ =	shalt  }
0x81: {  	_ =	shalt  }
0x82: {  	_ =	shalt  }
0x83: {  	_ =	shalt  }
0x84: {  	_ =	shalt  }
0x85: {  	_ =	shalt  }
0x86: {  	_ =	shalt  }
0x87: {  	_ =	shalt  }
.Lfunc_end0:
.L_simem_size_0:
called_computation_lowered:
.L_overlay_start_0:
0x88: {  	s2 =	sld [smem:$0x3FD9]  }
0x89: {  	s3 =	sld [smem:$0x3FFE];
	_ =	sdelay $0x1  }
0x8a: {  	s1 =	srdreg.scid  }
0x8b: {  	s0 =	sand.u32 $0x1, s1  }
0x8c: {  	s18 =	sshll.u32 s0, $0xA;
	s2 =	sadd.s32 s3, s2  }
0x8d: {  	s2 =	sadd.s32 s2, s18  }
0x8e: {  	[smem:$0x3FC6] =	sst s2  }
0x8f: {  	_ = 	snop  }
0x90: {  	s2 =	sld [smem:$0x3FC9]  }
0x91: {  	s19 =	sld [smem:$0x3FC8]  }
0x92: {  	s4 =	sld [smem:$0x3FD0];
	(tm) =	ssettm $0x1  }
0x93: {  	s5 =	sld [smem:$0x3FFB];
	_ =	sdelay $0x3  }
0x94: {  	_ =	strace s5  }
0x95: {  	s5 =	sld [smem:$0x3FFC];
	_ =	sdelay $0x3  }
0x96: {  	_ =	strace s5  }
0x97: {  	s5 =	sld [smem:$0x3FFD];
	_ =	sdelay $0x3  }
0x98: {  	_ =	strace s5  }
0x99: {  	_ =	strace $0x8FFFFFFF  }
0x9a: {  	s20 =	sld [smem:$0x3FDB];
	_ =	sdelay $0x1  }
0x9b: {  	s6 =	simm.s32 $_scs_section_size  }
0x9c: {  	s7 =	simm.s32 $_size__tile_overlayer_lowered;
	s8 =	simm.s32 $_tile_overlayer_lowered  }
0x9d: {  	s23 =	simm.s32 $0x1BFF;
	s22 =	sshll.u32 s8, $0x1;
	s5 =	sadd.s32 s6, s20  }
0x9e: {  	s9 =	simm.s32 $0x0;
	s21 =	sshll.u32 s7, $0x1;
	s7 =	sadd.s32 s22, s5  }
0x9f: {  	[timem:s9], [sflag:s23] =	dma.local [hbm:s7], s21  }
0xa0: {  	_ =	swait.ge [sflag:s23], s21  }
0xa1: {  	s6 =	ssub.s32 $0x0, s21;
	[sflag:s23] =	ssyncset.done $0x0  }
0xa2: {  	[sflag:s23] =	ssyncadd.s32 s6;
	_ =	sdelay $0x1  }
0xa3: {  	s24 =	simm.s32 $0x1B8B  }
0xa4: {  	_ =	swait.ge [sflag:s24], $0x1  }
0xa5: {  	[sflag:s24] =	ssyncset.done $0x0  }
0xa6: {  	s25 =	simm.s32 $0x1B8E;
	[sflag:s24] =	ssyncadd.s32 $0xFFFFFFFF  }
0xa7: {  	s26 =	simm.s32 $execute0_lowered;
	[smem:$0x3FD2] =	sst s25  }
0xa8: {  	s6 =	sshll.u32 s26, $0x1;
	_ =	strace $0x80000046;
	[dreg:$0x1] =	wrdreg $0xFFFFFFFF  }
0xa9: {  	s28 =	simm.s32 $_size_execute0_lowered;
	s5 =	sadd.s32 s5, s6;
	[dreg:$0x0] =	wrdreg $0x0  }
0xaa: {  	s6 =	sshll.u32 s28, $0x1;
	[dreg:$0x2] =	wrdreg s5  }
0xab: {  	[dreg:$0x3] =	wrdreg s6  }
0xac: {  	[dreg:$0x4] =	wrdreg $0xC0  }
0xad: {  	_ =	task [dreg:s9], $0x5FFFF  }
0xae: {  	[dreg:$0x1] =	wrdreg $0xFFFFFFFF  }
0xaf: {  	[dreg:$0x0] =	wrdreg $0x60  }
0xb0: {  	[dreg:$0x2] =	wrdreg s2  }
0xb1: {  	[dreg:$0x3] =	wrdreg s19  }
0xb2: {  	[dreg:$0x4] =	wrdreg s4  }
0xb3: {  	[dreg:$0x5] =	wrdreg $0x9  }
0xb4: {  	_ =	task.clear_ibuf [dreg:s9], $0x6FFFF;
	_ =	strace $0x90000046  }
0xb5: {  	s29 =	simm.s32 $0x9;
	_ =	strace $0x80000048  }
0xb6: {  	_ =	swait.ge [sflag:s29], $0x1  }
0xb7: {  	[sflag:s29] =	ssyncadd.s32 $0xFFFFFFFF  }
0xb8: {  	_ =	strace $0x90000048  }
0xb9: {  	_ =	sfence  }
0xba: {  	s30 =	sld [smem:$0x0];
	_ =	sdelay $0x2  }
0xbb: {  	s31 =	sshll.u32 s1, $0xD;
	s1 =	sshrl.u32 s1, $0x2  }
0xbc: {  	s3 =	sand.u32 $0x4000, s31;
	s1 =	sadd.s32 s1, s30  }
0xbd: {  	s0 =	sor.u32 s3, s0;
	s1 =	sshll.u32 s1, $0x11  }
0xbe: {  	s0 =	sor.u32 s1, s0  }
0xbf: {  	s0 =	sadd.s32 $0x8F2B, s0  }
0xc0: {  	[sflag:s0] =	ssyncadd.remote.s32 $0x1  }
0xc1: {  	_ =	sfence.sel $0xFFFF  }
0xc2: {  	[dreg:$0x0] =	wrdreg $0xFFFFFFFF;
	(pc) =	sbr.abs _section_cstart, $3  }
0xc3: {  	[dreg:$0x1] =	wrdreg $0xFFFFFFFF  }
0xc4: {  	_ =	task.clear_ibuf [dreg:s9], $0x2FFFF;
	_ =	strace $0x9FFFFFFF  }
0xc5: {  	(tm) =	ssettm $0x7FFFFFFF  }
tec
execute0_lowered:
.L_overlay_start_1:
0x0: {  	(tag) =	ssettag $0x1  }
0x1: {  	s2 =	rddreg [dreg:$0x0]  }
0x2: {  	s6 =	rddreg [dreg:$0x1];
	s0 =	srdreg.scid  }
0x3: {  	s4 =	rddreg [dreg:$0x2];
	s1 =	stileid.u32;
	s5 =	simm.s32 $0x0  }
0x4: {  	s20 =	simm.s32 $0x1;
	s28 =	simm.s32 $0x4;
	s29 =	simm.s32 $0x6  }
0x5: {  	s31 =	simm.s32 $0x7;
	s0 =	sand.u32 $0x1, s0;
	s1 =	sshll.u32 s1, $0x9  }
0x6: {  	[smem:$0x7FF] =	sst s5;
	s24 =	sadd.s32 $0x100000, s2;
	s25 =	sadd.s32 $0x100000, s4  }
0x7: {  	s3 =	sshll.u32 s0, $0x8;
	_ =	strace $0x80000047;
	[dreg:$0x9] =	wrdreg s24  }
0x8: {  	s0 =	ssub.s32 $0x2, s0;
	[dreg:$0xb] =	wrdreg s25;
	s3 =	sor.u32 s3, s1  }
0x9: {  	s25 =	simm.s32 $0x3;
	s7 =	sshll.u32 s3, $0x7;
	[dreg:$0x4] =	wrdreg s3  }
0xa: {  	s21 =	sshrl.u32 s0, $0x1;
	s26 =	sor.u32 $0x20, s3;
	[dreg:$0x5] =	wrdreg s7  }
0xb: {  	s0 =	ssub.s32 s0, s21;
	s30 =	sor.u32 $0x30, s3;
	[dreg:$0xc] =	wrdreg s26  }
0xc: {  	s3 =	simm.s32 $0x0;
	s22 =	sadd.s32 s6, s7;
	[dreg:$0xd] =	wrdreg s30  }
.Ltmp0:
0xd: {  	s23 =	sadd.s32 s2, s7;
	[dreg:$0x6] =	wrdreg s22;
	(pc) =	sbr.rel .LBB2_1-.Ltmp0, $4  }
0xe: {  	s0 =	smax.u32 s0, $0x1;
	s26 =	simm.s32 $0x5;
	[dreg:$0x8] =	wrdreg s23  }
0xf: {  	s1 =	sadd.s32 $0x800, s22;
	[dreg:$0xe] =	wrdreg s0;
	s22 =	simm.s32 $0x8000  }
0x10: {  	s23 =	simm.s32 $0x2;
	[dreg:$0x7] =	wrdreg s1;
	s1 =	sadd.s32 s7, s24  }
0x11: {  	s0 =	simm.s32 $0x8;
	s24 =	simm.s32 $0xC000;
	[dreg:$0xa] =	wrdreg s1  }
.LBB2_20:
0x12: {  	_ =	swait.ge [sflag:s31], $0x4000  }
0x13: {  	[sflag:s31] =	ssyncset.done $0x0  }
0x14: {  	[sflag:s31] =	ssyncadd.s32 $0xFFFFC000  }
0x15: {  	_ =	swait.ge [sflag:s0], $0x4000  }
0x16: {  	s3 =	rddreg [dreg:$0xf]  }
0x17: {  	s1 =	rddreg [dreg:$0xe];
	s3 =	sadd.s32 $0x1, s3  }
0x18: {  	p0 =	sne.s32 s3, s1  }
.Ltmp1:
0x19: {  	_ = 	snop;
	(pc) =	sbr.rel @!p0 .LBB2_21-.Ltmp1, $3  }
0x1a: {  	_ =	sdelay $0x1  }
0x1b: {  	[sflag:s0] =	ssyncset.done $0x0  }
0x1c: {  	[sflag:s0] =	ssyncadd.s32 $0xFFFFC000  }
.LBB2_1:
0x1d: {  	[dreg:$0xf] =	wrdreg s3  }
0x1e: {  	s1 =	rddreg [dreg:$0x6];
	s16 =	simm.s32 $0x10000  }
0x1f: {  	[tilespmem:s16], [sflag:$0x9] =	stream.linear.gather [hbm4b:s1+s5], $0x4000, $0x38;
	[tilespmem:$0x18000] =	vst v63  }
0x20: {  	s17 =	rddreg [dreg:$0x7];
	s18 =	simm.s32 $0x14000  }
0x21: {  	[tilespmem:s18], [sflag:$0xA] =	stream.linear.gather [hbm4b:s17+s5], $0x4000, $0x38;
	[tilespmem:$0x18000] =	vst v63  }
0x22: {  	s19 =	rddreg [dreg:$0x8]  }
0x23: {  	[tilespmem:s5], [sflag:$0x1] =	stream.linear.gather [hbm4b:s19+s5], $0x4000, $0x38;
	[tilespmem:$0x18000] =	vst v63  }
0x24: {  	s21 =	rddreg [dreg:$0xa];
	s30 =	simm.s32 $0x4000;
	s17 =	simm.s32 $0x0  }
0x25: {  	[tilespmem:s30], [sflag:$0x2] =	stream.linear.gather [hbm4b:s21+s5], $0x4000, $0x38;
	[tilespmem:$0x18000] =	vst v63  }
.LBB2_2:
0x26: {  	_ =	swait.ge [sflag:s20], $0x4000  }
0x27: {  	[sflag:s20] =	ssyncset.done $0x0  }
0x28: {  	s1 =	simm.s32 $0x9;
	[sflag:s20] =	ssyncadd.s32 $0xFFFFC000  }
0x29: {  	_ =	swait.ge [sflag:s1], $0x4000  }
0x2a: {  	p0 =	seq.s32 s17, $0x0;
	[sflag:s1] =	ssyncset.done $0x0  }
0x2b: {  	s15 =	sshll.u32 s17, $0xC;
	s3 =	simm.s32 @!p0 $0x7;
	[sflag:s1] =	ssyncadd.s32 $0xFFFFC000  }
0x2c: {  	s9 =	simm.s32 $0x0;
	s10 =	simm.s32 $0x0;
	_ =	swait.ge @!p0 [sflag:s3], $0x4000  }
0x2d: {  	s18 =	sand.u32 $0x2000, s10;
	s19 =	sand.u32 $0x1C00, s9;
	s6 =	rddreg [dreg:$0x5]  }
0x2e: {  	s21 =	sand.u32 $0x380, s9;
	[sflag:s3] =	ssyncset.done @!p0 $0x0;
	s1 =	sadd.s32 s6, s15  }
0x2f: {  	[sflag:s3] =	ssyncadd.s32 @!p0 $0xFFFFC000;
	s3 =	sor.u32 s18, s19;
	s8 =	sor.u32 $0x200000, s1  }
0x30: {  	s3 =	sor.u32 s21, s3;
	s16 =	sadd.s32 s2, s8  }
0x31: {  	[tilespmem:s22], [sflag:$0x3] =	stream.linear.gather [hbm4b:s16+s9], $0x4000, $0x38;
	[tilespmem:$0x18000] =	vst v63  }
0x32: {  	v0 =	vld [tilespmem:s3+$0x10070]  }
0x33: {  	v4 =	vld [tilespmem:s3+$0x10000]  }
0x34: {  	v5 =	vld [tilespmem:s3+$0x10010]  }
0x35: {  	v6 =	vld [tilespmem:s3+$0x10020]  }
0x36: {  	v2 =	vld [tilespmem:s3+$0x10030]  }
0x37: {  	v3 =	vld [tilespmem:s3+$0x10040]  }
0x38: {  	s6 =	sor.u32 $0x70, s3;
	v1 =	vld [tilespmem:s3+$0x10050]  }
0x39: {  	[tilespmem:s6+$0x0] =	vst.add.f32.msk $0xffff, v0  }
0x3a: {  	v0 =	vld [tilespmem:s3+$0x10060]  }
0x3b: {  	s30 =	sor.u32 $0x10, s3;
	[tilespmem:s3+$0x0] =	vst.add.f32.msk $0xffff, v4  }
0x3c: {  	s13 =	sor.u32 $0x20, s3;
	s11 =	sor.u32 $0x30, s3;
	s7 =	sor.u32 $0x40, s3;
	[tilespmem:s30+$0x0] =	vst.add.f32.msk $0xffff, v5  }
0x3d: {  	s12 =	sor.u32 $0x60, s3;
	s6 =	sor.u32 $0x50, s3;
	[tilespmem:s13+$0x0] =	vst.add.f32.msk $0xffff, v6;
	s3 =	simm.s32 $0x0  }
.LBB2_3:
0x3e: {  	s10 =	sadd.s32 $0x80, s10;
	[tilespmem:s11+$0x0] =	vst.add.f32.msk $0xffff, v2;
	s9 =	sadd.s32 $0x400, s9  }
0x3f: {  	s3 =	sadd.s32 $0x10, s3;
	s11 =	sand.u32 $0x2000, s10;
	s13 =	sand.u32 $0x1C00, s9;
	[tilespmem:s7+$0x0] =	vst.add.f32.msk $0xffff, v3  }
0x40: {  	p1 =	slt.u32 s10, $0x3F80;
	s7 =	sor.u32 s11, s13;
	s11 =	sand.u32 $0x380, s3;
	[tilespmem:s6+$0x0] =	vst.add.f32.msk $0xffff, v1  }
0x41: {  	s13 =	sor.u32 s11, s7;
	[tilespmem:s12+$0x0] =	vst.add.f32.msk $0xffff, v0  }
0x42: {  	s15 =	sor.u32 $0x10, s13;
	s16 =	sor.u32 $0x20, s13;
	s11 =	sor.u32 $0x30, s13;
	v0 =	vld [tilespmem:s13+$0x10070]  }
0x43: {  	s7 =	sor.u32 $0x40, s13;
	s6 =	sor.u32 $0x50, s13;
	s12 =	sor.u32 $0x60, s13;
	v4 =	vld [tilespmem:s13+$0x10000]  }
0x44: {  	v5 =	vld [tilespmem:s13+$0x10010]  }
0x45: {  	v6 =	vld [tilespmem:s13+$0x10020]  }
0x46: {  	s18 =	sor.u32 $0x70, s13;
	v2 =	vld [tilespmem:s13+$0x10030]  }
0x47: {  	[tilespmem:s18+$0x0] =	vst.add.f32.msk $0xffff, v0  }
0x48: {  	v3 =	vld [tilespmem:s13+$0x10040]  }
.Ltmp2:
0x49: {  	v1 =	vld [tilespmem:s13+$0x10050];
	(pc) =	sbr.rel @p1 .LBB2_3-.Ltmp2, $4  }
0x4a: {  	v0 =	vld [tilespmem:s13+$0x10060]  }
0x4b: {  	[tilespmem:s13+$0x0] =	vst.add.f32.msk $0xffff, v4  }
0x4c: {  	[tilespmem:s15+$0x0] =	vst.add.f32.msk $0xffff, v5  }
0x4d: {  	[tilespmem:s16+$0x0] =	vst.add.f32.msk $0xffff, v6  }
0x4e: {  	[tilespmem:s11+$0x0] =	vst.add.f32.msk $0xffff, v2  }
0x4f: {  	[tilespmem:s7+$0x0] =	vst.add.f32.msk $0xffff, v3  }
0x50: {  	[tilespmem:s6+$0x0] =	vst.add.f32.msk $0xffff, v1  }
0x51: {  	s3 =	sadd.s32 s4, s1;
	[tilespmem:s12+$0x0] =	vst.add.f32.msk $0xffff, v0  }
0x52: {  	[hbm4b:s3+s5] =	stream.linear.scatter [tilespmem:s5], [sflag:$0x5], $0x4000, $0x38;
	[tilespmem:$0x18000] =	vst v63  }
0x53: {  	_ =	swait.ge [sflag:s23], $0x4000  }
0x54: {  	s10 =	sor.u32 $0x300000, s1;
	[sflag:s23] =	ssyncset.done $0x0  }
0x55: {  	s9 =	simm.s32 $0x0;
	s3 =	simm.s32 @!p0 $0x8;
	[sflag:s23] =	ssyncadd.s32 $0xFFFFC000  }
0x56: {  	s16 =	sadd.s32 s2, s10;
	s12 =	simm.s32 $0x0;
	_ =	swait.ge @!p0 [sflag:s3], $0x4000  }
0x57: {  	s19 =	sand.u32 $0x1C00, s9;
	s18 =	sand.u32 $0x2000, s12;
	[sflag:s3] =	ssyncset.done @!p0 $0x0  }
0x58: {  	s21 =	sand.u32 $0x380, s9;
	[sflag:s3] =	ssyncadd.s32 @!p0 $0xFFFFC000;
	s3 =	sor.u32 s18, s19  }
0x59: {  	[tilespmem:s24], [sflag:$0x4] =	stream.linear.gather [hbm4b:s16+s9], $0x4000, $0x38;
	[tilespmem:$0x18000] =	vst v63  }
0x5a: {  	s3 =	sor.u32 s21, s3  }
0x5b: {  	v0 =	vld [tilespmem:s3+$0x10070]  }
0x5c: {  	v4 =	vld [tilespmem:s3+$0x10000]  }
0x5d: {  	v5 =	vld [tilespmem:s3+$0x10010]  }
0x5e: {  	v6 =	vld [tilespmem:s3+$0x10020]  }
0x5f: {  	v2 =	vld [tilespmem:s3+$0x10030]  }
0x60: {  	v3 =	vld [tilespmem:s3+$0x10040]  }
0x61: {  	s6 =	sor.u32 $0x4070, s3;
	v1 =	vld [tilespmem:s3+$0x10060]  }
0x62: {  	[tilespmem:s6+$0x0] =	vst.add.f32.msk $0xffff, v0  }
0x63: {  	s30 =	sor.u32 $0x4000, s3;
	v0 =	vld [tilespmem:s3+$0x10050]  }
0x64: {  	s13 =	sor.u32 $0x4010, s3;
	[tilespmem:s30+$0x0] =	vst.add.f32.msk $0xffff, v4  }
0x65: {  	s16 =	sor.u32 $0x4020, s3;
	s11 =	sor.u32 $0x4030, s3;
	s7 =	sor.u32 $0x4040, s3;
	[tilespmem:s13+$0x0] =	vst.add.f32.msk $0xffff, v5  }
0x66: {  	s15 =	sor.u32 $0x4060, s3;
	s6 =	sor.u32 $0x4050, s3;
	[tilespmem:s16+$0x0] =	vst.add.f32.msk $0xffff, v6;
	s3 =	simm.s32 $0x0  }
.LBB2_5:
0x67: {  	s12 =	sadd.s32 $0x80, s12;
	[tilespmem:s11+$0x0] =	vst.add.f32.msk $0xffff, v2;
	s9 =	sadd.s32 $0x400, s9  }
0x68: {  	s3 =	sadd.s32 $0x10, s3;
	s11 =	sand.u32 $0x2000, s12;
	s13 =	sand.u32 $0x1C00, s9;
	[tilespmem:s7+$0x0] =	vst.add.f32.msk $0xffff, v3  }
0x69: {  	p0 =	slt.u32 s12, $0x3F80;
	s7 =	sor.u32 s11, s13;
	s11 =	sand.u32 $0x380, s3;
	[tilespmem:s6+$0x0] =	vst.add.f32.msk $0xffff, v0  }
0x6a: {  	s13 =	sor.u32 s11, s7;
	[tilespmem:s15+$0x0] =	vst.add.f32.msk $0xffff, v1  }
0x6b: {  	s16 =	sor.u32 $0x4000, s13;
	s18 =	sor.u32 $0x4010, s13;
	s14 =	sor.u32 $0x4020, s13;
	v0 =	vld [tilespmem:s13+$0x10070]  }
0x6c: {  	s11 =	sor.u32 $0x4030, s13;
	s7 =	sor.u32 $0x4040, s13;
	s6 =	sor.u32 $0x4050, s13;
	v4 =	vld [tilespmem:s13+$0x10000]  }
0x6d: {  	s15 =	sor.u32 $0x4060, s13;
	v5 =	vld [tilespmem:s13+$0x10010]  }
0x6e: {  	v6 =	vld [tilespmem:s13+$0x10020]  }
0x6f: {  	s21 =	sor.u32 $0x4070, s13;
	v2 =	vld [tilespmem:s13+$0x10030]  }
0x70: {  	[tilespmem:s21+$0x0] =	vst.add.f32.msk $0xffff, v0  }
0x71: {  	v3 =	vld [tilespmem:s13+$0x10040]  }
.Ltmp3:
0x72: {  	v0 =	vld [tilespmem:s13+$0x10050];
	(pc) =	sbr.rel @p0 .LBB2_5-.Ltmp3, $4  }
0x73: {  	v1 =	vld [tilespmem:s13+$0x10060]  }
0x74: {  	[tilespmem:s16+$0x0] =	vst.add.f32.msk $0xffff, v4  }
0x75: {  	[tilespmem:s18+$0x0] =	vst.add.f32.msk $0xffff, v5  }
0x76: {  	[tilespmem:s14+$0x0] =	vst.add.f32.msk $0xffff, v6  }
0x77: {  	[tilespmem:s11+$0x0] =	vst.add.f32.msk $0xffff, v2  }
0x78: {  	[tilespmem:s7+$0x0] =	vst.add.f32.msk $0xffff, v3  }
0x79: {  	[tilespmem:s6+$0x0] =	vst.add.f32.msk $0xffff, v0  }
0x7a: {  	[tilespmem:s15+$0x0] =	vst.add.f32.msk $0xffff, v1  }
0x7b: {  	s3 =	rddreg [dreg:$0xb]  }
0x7c: {  	s12 =	simm.s32 $0x4000;
	s3 =	sadd.s32 s1, s3;
	s1 =	simm.s32 $0x0  }
0x7d: {  	[hbm4b:s3+s1] =	stream.linear.scatter [tilespmem:s12], [sflag:$0x6], $0x4000, $0x38;
	[tilespmem:$0x18000] =	vst v63  }
0x7e: {  	s9 =	sshll.u32 s17, $0x5;
	s18 =	simm.s32 $0x0;
	_ =	swait.ge [sflag:s25], $0x4000  }
0x7f: {  	s15 =	sand.u32 $0x2000, s18;
	[sflag:s25] =	ssyncset.done $0x0;
	s13 =	rddreg [dreg:$0x4]  }
0x80: {  	s19 =	sand.u32 $0x1C00, s1;
	[sflag:s25] =	ssyncadd.s32 $0xFFFFC000;
	s3 =	sor.u32 s9, s13  }
0x81: {  	s21 =	sand.u32 $0x380, s1;
	_ =	swait.ge [sflag:s26], $0x4000;
	s12 =	sshll.u32 s3, $0x7  }
0x82: {  	s3 =	sor.u32 s15, s19;
	[sflag:s26] =	ssyncset.done $0x0;
	s16 =	sor.u32 $0x800, s12  }
0x83: {  	s3 =	sor.u32 s21, s3;
	[sflag:s26] =	ssyncadd.s32 $0xFFFFC000;
	s14 =	sadd.s32 s2, s16  }
0x84: {  	[tilespmem:s1], [sflag:$0x1] =	stream.linear.gather [hbm4b:s14+s1], $0x4000, $0x38;
	[tilespmem:$0x18000] =	vst v63  }
0x85: {  	v0 =	vld [tilespmem:s3+$0x10070]  }
0x86: {  	v4 =	vld [tilespmem:s3+$0x10000]  }
0x87: {  	v5 =	vld [tilespmem:s3+$0x10010]  }
0x88: {  	v6 =	vld [tilespmem:s3+$0x10020]  }
0x89: {  	v2 =	vld [tilespmem:s3+$0x10030]  }
0x8a: {  	v3 =	vld [tilespmem:s3+$0x10040]  }
0x8b: {  	s6 =	sor.u32 $0x8070, s3;
	v1 =	vld [tilespmem:s3+$0x10060]  }
0x8c: {  	[tilespmem:s6+$0x0] =	vst.add.f32.msk $0xffff, v0  }
0x8d: {  	s30 =	sor.u32 $0x8000, s3;
	v0 =	vld [tilespmem:s3+$0x10050]  }
0x8e: {  	s13 =	sor.u32 $0x8010, s3;
	[tilespmem:s30+$0x0] =	vst.add.f32.msk $0xffff, v4  }
0x8f: {  	s11 =	sor.u32 $0x8030, s3;
	s7 =	sor.u32 $0x8040, s3;
	s14 =	sor.u32 $0x8020, s3;
	[tilespmem:s13+$0x0] =	vst.add.f32.msk $0xffff, v5  }
0x90: {  	s15 =	sor.u32 $0x8060, s3;
	s6 =	sor.u32 $0x8050, s3;
	[tilespmem:s14+$0x0] =	vst.add.f32.msk $0xffff, v6;
	s3 =	simm.s32 $0x0  }
.LBB2_7:
0x91: {  	s18 =	sadd.s32 $0x80, s18;
	[tilespmem:s11+$0x0] =	vst.add.f32.msk $0xffff, v2;
	s1 =	sadd.s32 $0x400, s1  }
0x92: {  	s3 =	sadd.s32 $0x10, s3;
	s11 =	sand.u32 $0x2000, s18;
	s13 =	sand.u32 $0x1C00, s1;
	[tilespmem:s7+$0x0] =	vst.add.f32.msk $0xffff, v3  }
0x93: {  	p0 =	slt.u32 s18, $0x3F80;
	s7 =	sor.u32 s11, s13;
	s11 =	sand.u32 $0x380, s3;
	[tilespmem:s6+$0x0] =	vst.add.f32.msk $0xffff, v0  }
0x94: {  	s13 =	sor.u32 s11, s7;
	[tilespmem:s15+$0x0] =	vst.add.f32.msk $0xffff, v1  }
0x95: {  	s14 =	sor.u32 $0x8000, s13;
	s21 =	sor.u32 $0x8010, s13;
	s19 =	sor.u32 $0x8020, s13;
	v0 =	vld [tilespmem:s13+$0x10070]  }
0x96: {  	s11 =	sor.u32 $0x8030, s13;
	s7 =	sor.u32 $0x8040, s13;
	s6 =	sor.u32 $0x8050, s13;
	v4 =	vld [tilespmem:s13+$0x10000]  }
0x97: {  	s15 =	sor.u32 $0x8060, s13;
	v5 =	vld [tilespmem:s13+$0x10010]  }
0x98: {  	v6 =	vld [tilespmem:s13+$0x10020]  }
0x99: {  	s30 =	sor.u32 $0x8070, s13;
	v2 =	vld [tilespmem:s13+$0x10030]  }
0x9a: {  	[tilespmem:s30+$0x0] =	vst.add.f32.msk $0xffff, v0  }
0x9b: {  	v3 =	vld [tilespmem:s13+$0x10040]  }
.Ltmp4:
0x9c: {  	v0 =	vld [tilespmem:s13+$0x10050];
	(pc) =	sbr.rel @p0 .LBB2_7-.Ltmp4, $4  }
0x9d: {  	v1 =	vld [tilespmem:s13+$0x10060]  }
0x9e: {  	[tilespmem:s14+$0x0] =	vst.add.f32.msk $0xffff, v4  }
0x9f: {  	[tilespmem:s21+$0x0] =	vst.add.f32.msk $0xffff, v5  }
0xa0: {  	[tilespmem:s19+$0x0] =	vst.add.f32.msk $0xffff, v6  }
0xa1: {  	[tilespmem:s11+$0x0] =	vst.add.f32.msk $0xffff, v2  }
0xa2: {  	[tilespmem:s7+$0x0] =	vst.add.f32.msk $0xffff, v3  }
0xa3: {  	[tilespmem:s6+$0x0] =	vst.add.f32.msk $0xffff, v0  }
0xa4: {  	s3 =	sadd.s32 s4, s8;
	s1 =	simm.s32 $0x0;
	[tilespmem:s15+$0x0] =	vst.add.f32.msk $0xffff, v1  }
0xa5: {  	[hbm4b:s3+s1] =	stream.linear.scatter [tilespmem:s22], [sflag:$0x7], $0x4000, $0x38;
	[tilespmem:$0x18000] =	vst v63  }
0xa6: {  	_ =	swait.ge [sflag:s28], $0x4000  }
0xa7: {  	s8 =	sor.u32 $0x100800, s12;
	[sflag:s28] =	ssyncset.done $0x0  }
0xa8: {  	s14 =	simm.s32 $0x4000;
	s18 =	simm.s32 $0x0;
	[sflag:s28] =	ssyncadd.s32 $0xFFFFC000  }
0xa9: {  	s15 =	sand.u32 $0x2000, s18;
	s19 =	sand.u32 $0x1C00, s1;
	_ =	swait.ge [sflag:s29], $0x4000  }
0xaa: {  	s21 =	sand.u32 $0x380, s1;
	s3 =	sor.u32 s15, s19;
	[sflag:s29] =	ssyncset.done $0x0  }
0xab: {  	s13 =	sadd.s32 s2, s8;
	s3 =	sor.u32 s21, s3;
	[sflag:s29] =	ssyncadd.s32 $0xFFFFC000  }
0xac: {  	[tilespmem:s14], [sflag:$0x2] =	stream.linear.gather [hbm4b:s13+s1], $0x4000, $0x38;
	[tilespmem:$0x18000] =	vst v63  }
0xad: {  	v0 =	vld [tilespmem:s3+$0x10070]  }
0xae: {  	v4 =	vld [tilespmem:s3+$0x10000]  }
0xaf: {  	v5 =	vld [tilespmem:s3+$0x10010]  }
0xb0: {  	v6 =	vld [tilespmem:s3+$0x10020]  }
0xb1: {  	v2 =	vld [tilespmem:s3+$0x10030]  }
0xb2: {  	v3 =	vld [tilespmem:s3+$0x10040]  }
0xb3: {  	s6 =	sor.u32 $0xC070, s3;
	v1 =	vld [tilespmem:s3+$0x10060]  }
0xb4: {  	[tilespmem:s6+$0x0] =	vst.add.f32.msk $0xffff, v0  }
0xb5: {  	s30 =	sor.u32 $0xC000, s3;
	v0 =	vld [tilespmem:s3+$0x10050]  }
0xb6: {  	s13 =	sor.u32 $0xC010, s3;
	[tilespmem:s30+$0x0] =	vst.add.f32.msk $0xffff, v4  }
0xb7: {  	s11 =	sor.u32 $0xC030, s3;
	s7 =	sor.u32 $0xC040, s3;
	s14 =	sor.u32 $0xC020, s3;
	[tilespmem:s13+$0x0] =	vst.add.f32.msk $0xffff, v5  }
0xb8: {  	s15 =	sor.u32 $0xC060, s3;
	s6 =	sor.u32 $0xC050, s3;
	[tilespmem:s14+$0x0] =	vst.add.f32.msk $0xffff, v6;
	s3 =	simm.s32 $0x0  }
.LBB2_9:
0xb9: {  	s18 =	sadd.s32 $0x80, s18;
	[tilespmem:s11+$0x0] =	vst.add.f32.msk $0xffff, v2;
	s1 =	sadd.s32 $0x400, s1  }
0xba: {  	s3 =	sadd.s32 $0x10, s3;
	s11 =	sand.u32 $0x2000, s18;
	s13 =	sand.u32 $0x1C00, s1;
	[tilespmem:s7+$0x0] =	vst.add.f32.msk $0xffff, v3  }
0xbb: {  	p0 =	slt.u32 s18, $0x3F80;
	s7 =	sor.u32 s11, s13;
	s11 =	sand.u32 $0x380, s3;
	[tilespmem:s6+$0x0] =	vst.add.f32.msk $0xffff, v0  }
0xbc: {  	s13 =	sor.u32 s11, s7;
	[tilespmem:s15+$0x0] =	vst.add.f32.msk $0xffff, v1  }
0xbd: {  	s14 =	sor.u32 $0xC000, s13;
	s19 =	sor.u32 $0xC010, s13;
	s21 =	sor.u32 $0xC020, s13;
	v0 =	vld [tilespmem:s13+$0x10070]  }
0xbe: {  	s11 =	sor.u32 $0xC030, s13;
	s7 =	sor.u32 $0xC040, s13;
	s6 =	sor.u32 $0xC050, s13;
	v4 =	vld [tilespmem:s13+$0x10000]  }
0xbf: {  	s15 =	sor.u32 $0xC060, s13;
	v5 =	vld [tilespmem:s13+$0x10010]  }
0xc0: {  	v6 =	vld [tilespmem:s13+$0x10020]  }
0xc1: {  	s30 =	sor.u32 $0xC070, s13;
	v2 =	vld [tilespmem:s13+$0x10030]  }
0xc2: {  	[tilespmem:s30+$0x0] =	vst.add.f32.msk $0xffff, v0  }
0xc3: {  	v3 =	vld [tilespmem:s13+$0x10040]  }
.Ltmp5:
0xc4: {  	v0 =	vld [tilespmem:s13+$0x10050];
	(pc) =	sbr.rel @p0 .LBB2_9-.Ltmp5, $4  }
0xc5: {  	v1 =	vld [tilespmem:s13+$0x10060]  }
0xc6: {  	[tilespmem:s14+$0x0] =	vst.add.f32.msk $0xffff, v4  }
0xc7: {  	[tilespmem:s19+$0x0] =	vst.add.f32.msk $0xffff, v5  }
0xc8: {  	[tilespmem:s21+$0x0] =	vst.add.f32.msk $0xffff, v6  }
0xc9: {  	[tilespmem:s11+$0x0] =	vst.add.f32.msk $0xffff, v2  }
0xca: {  	[tilespmem:s7+$0x0] =	vst.add.f32.msk $0xffff, v3  }
0xcb: {  	[tilespmem:s6+$0x0] =	vst.add.f32.msk $0xffff, v0  }
0xcc: {  	s1 =	sadd.s32 s4, s10;
	[tilespmem:s15+$0x0] =	vst.add.f32.msk $0xffff, v1  }
0xcd: {  	[hbm4b:s1+s5] =	stream.linear.scatter [tilespmem:s24], [sflag:$0x8], $0x4000, $0x38;
	[tilespmem:$0x18000] =	vst v63  }
0xce: {  	p0 =	seq.s32 s17, $0x7;
	s1 =	rddreg [dreg:$0xc]  }
0xcf: {  	s1 =	sadd.s32 @!p0 s9, s1  }
0xd0: {  	s10 =	sshll.u32 @!p0 s1, $0x7;
	s1 =	rddreg [dreg:$0x1]  }
0xd1: {  	s3 =	simm.s32 @!p0 $0x0;
	s6 =	simm.s32 @!p0 $0x10000;
	s1 =	sadd.s32 @!p0 s1, s10  }
0xd2: {  	[tilespmem:s6], [sflag:$0x9] =	stream.linear.gather @!p0 [hbm4b:s1+s3], $0x4000, $0x38;
	[tilespmem:$0x18000] =	vst v63  }
0xd3: {  	_ =	swait.ge [sflag:s20], $0x4000  }
0xd4: {  	[sflag:s20] =	ssyncset.done $0x0  }
0xd5: {  	s13 =	simm.s32 $0xA;
	[sflag:s20] =	ssyncadd.s32 $0xFFFFC000  }
0xd6: {  	_ =	swait.ge [sflag:s13], $0x4000  }
0xd7: {  	s18 =	simm.s32 $0x0;
	[sflag:s13] =	ssyncset.done $0x0  }
0xd8: {  	s19 =	sand.u32 $0x1C00, s18;
	s3 =	simm.s32 $0x0;
	[sflag:s13] =	ssyncadd.s32 $0xFFFFC000  }
0xd9: {  	s21 =	sand.u32 $0x380, s18;
	s15 =	sand.u32 $0x2000, s3;
	_ =	swait.ge [sflag:s31], $0x4000  }
0xda: {  	s1 =	sor.u32 $0x200800, s12;
	s6 =	sor.u32 s15, s19;
	[sflag:s31] =	ssyncset.done $0x0  }
0xdb: {  	s14 =	sadd.s32 s2, s1;
	s6 =	sor.u32 s21, s6;
	[sflag:s31] =	ssyncadd.s32 $0xFFFFC000  }
0xdc: {  	[tilespmem:s22], [sflag:$0x3] =	stream.linear.gather [hbm4b:s14+s18], $0x4000, $0x38;
	[tilespmem:$0x18000] =	vst v63  }
0xdd: {  	v0 =	vld [tilespmem:s6+$0x14070]  }
0xde: {  	v4 =	vld [tilespmem:s6+$0x14000]  }
0xdf: {  	v5 =	vld [tilespmem:s6+$0x14010]  }
0xe0: {  	v6 =	vld [tilespmem:s6+$0x14020]  }
0xe1: {  	v2 =	vld [tilespmem:s6+$0x14030]  }
0xe2: {  	v3 =	vld [tilespmem:s6+$0x14040]  }
0xe3: {  	s7 =	sor.u32 $0x70, s6;
	v1 =	vld [tilespmem:s6+$0x14050]  }
0xe4: {  	[tilespmem:s7+$0x0] =	vst.add.f32.msk $0xffff, v0  }
0xe5: {  	v0 =	vld [tilespmem:s6+$0x14060]  }
0xe6: {  	s30 =	sor.u32 $0x10, s6;
	[tilespmem:s6+$0x0] =	vst.add.f32.msk $0xffff, v4  }
0xe7: {  	s15 =	simm.s32 $0x0;
	s11 =	sor.u32 $0x40, s6;
	s14 =	sor.u32 $0x20, s6;
	[tilespmem:s30+$0x0] =	vst.add.f32.msk $0xffff, v5  }
0xe8: {  	s13 =	sor.u32 $0x30, s6;
	s7 =	sor.u32 $0x50, s6;
	s6 =	sor.u32 $0x60, s6;
	[tilespmem:s14+$0x0] =	vst.add.f32.msk $0xffff, v6  }
.LBB2_11:
0xe9: {  	s3 =	sadd.s32 $0x80, s3;
	[tilespmem:s13+$0x0] =	vst.add.f32.msk $0xffff, v2;
	s18 =	sadd.s32 $0x400, s18  }
0xea: {  	s15 =	sadd.s32 $0x10, s15;
	s13 =	sand.u32 $0x2000, s3;
	s14 =	sand.u32 $0x1C00, s18;
	[tilespmem:s11+$0x0] =	vst.add.f32.msk $0xffff, v3  }
0xeb: {  	p1 =	slt.u32 s3, $0x3F80;
	s11 =	sor.u32 s13, s14;
	s13 =	sand.u32 $0x380, s15;
	[tilespmem:s7+$0x0] =	vst.add.f32.msk $0xffff, v1  }
0xec: {  	s14 =	sor.u32 s13, s11;
	[tilespmem:s6+$0x0] =	vst.add.f32.msk $0xffff, v0  }
0xed: {  	s19 =	sor.u32 $0x10, s14;
	s21 =	sor.u32 $0x20, s14;
	s13 =	sor.u32 $0x30, s14;
	v0 =	vld [tilespmem:s14+$0x14070]  }
0xee: {  	s11 =	sor.u32 $0x40, s14;
	s7 =	sor.u32 $0x50, s14;
	s6 =	sor.u32 $0x60, s14;
	v4 =	vld [tilespmem:s14+$0x14000]  }
0xef: {  	v5 =	vld [tilespmem:s14+$0x14010]  }
0xf0: {  	v6 =	vld [tilespmem:s14+$0x14020]  }
0xf1: {  	s30 =	sor.u32 $0x70, s14;
	v2 =	vld [tilespmem:s14+$0x14030]  }
0xf2: {  	[tilespmem:s30+$0x0] =	vst.add.f32.msk $0xffff, v0  }
0xf3: {  	v3 =	vld [tilespmem:s14+$0x14040]  }
.Ltmp6:
0xf4: {  	v1 =	vld [tilespmem:s14+$0x14050];
	(pc) =	sbr.rel @p1 .LBB2_11-.Ltmp6, $4  }
0xf5: {  	v0 =	vld [tilespmem:s14+$0x14060]  }
0xf6: {  	[tilespmem:s14+$0x0] =	vst.add.f32.msk $0xffff, v4  }
0xf7: {  	[tilespmem:s19+$0x0] =	vst.add.f32.msk $0xffff, v5  }
0xf8: {  	[tilespmem:s21+$0x0] =	vst.add.f32.msk $0xffff, v6  }
0xf9: {  	[tilespmem:s13+$0x0] =	vst.add.f32.msk $0xffff, v2  }
0xfa: {  	[tilespmem:s11+$0x0] =	vst.add.f32.msk $0xffff, v3  }
0xfb: {  	[tilespmem:s7+$0x0] =	vst.add.f32.msk $0xffff, v1  }
0xfc: {  	s3 =	sadd.s32 s4, s16;
	s16 =	simm.s32 $0x0;
	[tilespmem:s6+$0x0] =	vst.add.f32.msk $0xffff, v0  }
0xfd: {  	[hbm4b:s3+s16] =	stream.linear.scatter [tilespmem:s16], [sflag:$0x5], $0x4000, $0x38;
	[tilespmem:$0x18000] =	vst v63  }
0xfe: {  	_ =	swait.ge [sflag:s23], $0x4000  }
0xff: {  	[sflag:s23] =	ssyncset.done $0x0  }
0x100: {  	s12 =	sor.u32 $0x300800, s12;
	s18 =	simm.s32 $0x0;
	[sflag:s23] =	ssyncadd.s32 $0xFFFFC000  }
0x101: {  	s14 =	sand.u32 $0x2000, s18;
	s15 =	sand.u32 $0x1C00, s16;
	_ =	swait.ge [sflag:s0], $0x4000  }
0x102: {  	s19 =	sand.u32 $0x380, s16;
	s3 =	sor.u32 s14, s15;
	[sflag:s0] =	ssyncset.done $0x0  }
0x103: {  	s13 =	sadd.s32 s2, s12;
	s3 =	sor.u32 s19, s3;
	[sflag:s0] =	ssyncadd.s32 $0xFFFFC000  }
0x104: {  	[tilespmem:s24], [sflag:$0x4] =	stream.linear.gather [hbm4b:s13+s16], $0x4000, $0x38;
	[tilespmem:$0x18000] =	vst v63  }
0x105: {  	v0 =	vld [tilespmem:s3+$0x14070]  }
0x106: {  	v4 =	vld [tilespmem:s3+$0x14000]  }
0x107: {  	v5 =	vld [tilespmem:s3+$0x14010]  }
0x108: {  	v6 =	vld [tilespmem:s3+$0x14020]  }
0x109: {  	v2 =	vld [tilespmem:s3+$0x14030]  }
0x10a: {  	v3 =	vld [tilespmem:s3+$0x14040]  }
0x10b: {  	s6 =	sor.u32 $0x4070, s3;
	v1 =	vld [tilespmem:s3+$0x14060]  }
0x10c: {  	[tilespmem:s6+$0x0] =	vst.add.f32.msk $0xffff, v0  }
0x10d: {  	s21 =	sor.u32 $0x4000, s3;
	v0 =	vld [tilespmem:s3+$0x14050]  }
0x10e: {  	s30 =	sor.u32 $0x4010, s3;
	[tilespmem:s21+$0x0] =	vst.add.f32.msk $0xffff, v4  }
0x10f: {  	s14 =	sor.u32 $0x4020, s3;
	s11 =	sor.u32 $0x4040, s3;
	s7 =	sor.u32 $0x4060, s3;
	[tilespmem:s30+$0x0] =	vst.add.f32.msk $0xffff, v5  }
0x110: {  	s13 =	sor.u32 $0x4030, s3;
	s6 =	sor.u32 $0x4050, s3;
	[tilespmem:s14+$0x0] =	vst.add.f32.msk $0xffff, v6;
	s3 =	simm.s32 $0x0  }
.LBB2_13:
0x111: {  	s18 =	sadd.s32 $0x80, s18;
	[tilespmem:s13+$0x0] =	vst.add.f32.msk $0xffff, v2;
	s16 =	sadd.s32 $0x400, s16  }
0x112: {  	s3 =	sadd.s32 $0x10, s3;
	s13 =	sand.u32 $0x2000, s18;
	s14 =	sand.u32 $0x1C00, s16;
	[tilespmem:s11+$0x0] =	vst.add.f32.msk $0xffff, v3  }
0x113: {  	p1 =	slt.u32 s18, $0x3F80;
	s11 =	sor.u32 s13, s14;
	s13 =	sand.u32 $0x380, s3;
	[tilespmem:s6+$0x0] =	vst.add.f32.msk $0xffff, v0  }
0x114: {  	s14 =	sor.u32 s13, s11;
	[tilespmem:s7+$0x0] =	vst.add.f32.msk $0xffff, v1  }
0x115: {  	s15 =	sor.u32 $0x4000, s14;
	s19 =	sor.u32 $0x4010, s14;
	s21 =	sor.u32 $0x4020, s14;
	v0 =	vld [tilespmem:s14+$0x14070]  }
0x116: {  	s13 =	sor.u32 $0x4030, s14;
	s11 =	sor.u32 $0x4040, s14;
	s6 =	sor.u32 $0x4050, s14;
	v4 =	vld [tilespmem:s14+$0x14000]  }
0x117: {  	s7 =	sor.u32 $0x4060, s14;
	v5 =	vld [tilespmem:s14+$0x14010]  }
0x118: {  	v6 =	vld [tilespmem:s14+$0x14020]  }
0x119: {  	s30 =	sor.u32 $0x4070, s14;
	v2 =	vld [tilespmem:s14+$0x14030]  }
0x11a: {  	[tilespmem:s30+$0x0] =	vst.add.f32.msk $0xffff, v0  }
0x11b: {  	v3 =	vld [tilespmem:s14+$0x14040]  }
.Ltmp7:
0x11c: {  	v0 =	vld [tilespmem:s14+$0x14050];
	(pc) =	sbr.rel @p1 .LBB2_13-.Ltmp7, $4  }
0x11d: {  	v1 =	vld [tilespmem:s14+$0x14060]  }
0x11e: {  	[tilespmem:s15+$0x0] =	vst.add.f32.msk $0xffff, v4  }
0x11f: {  	[tilespmem:s19+$0x0] =	vst.add.f32.msk $0xffff, v5  }
0x120: {  	[tilespmem:s21+$0x0] =	vst.add.f32.msk $0xffff, v6  }
0x121: {  	[tilespmem:s13+$0x0] =	vst.add.f32.msk $0xffff, v2  }
0x122: {  	[tilespmem:s11+$0x0] =	vst.add.f32.msk $0xffff, v3  }
0x123: {  	[tilespmem:s6+$0x0] =	vst.add.f32.msk $0xffff, v0  }
0x124: {  	s3 =	sadd.s32 s4, s8;
	s14 =	simm.s32 $0x4000;
	[tilespmem:s7+$0x0] =	vst.add.f32.msk $0xffff, v1  }
0x125: {  	[hbm4b:s3+s5] =	stream.linear.scatter [tilespmem:s14], [sflag:$0x6], $0x4000, $0x38;
	[tilespmem:$0x18000] =	vst v63  }
0x126: {  	_ =	swait.ge [sflag:s25], $0x4000  }
0x127: {  	[sflag:s25] =	ssyncset.done $0x0  }
0x128: {  	[sflag:s25] =	ssyncadd.s32 $0xFFFFC000  }
0x129: {  	s6 =	simm.s32 @!p0 $0x0;
	s16 =	simm.s32 $0x0;
	_ =	swait.ge [sflag:s26], $0x4000  }
0x12a: {  	s8 =	simm.s32 $0x0;
	s15 =	sand.u32 $0x2000, s16;
	[sflag:s26] =	ssyncset.done $0x0  }
0x12b: {  	s18 =	sand.u32 $0x1C00, s8;
	s3 =	sadd.s32 @!p0 s2, s10;
	[sflag:s26] =	ssyncadd.s32 $0xFFFFC000  }
0x12c: {  	[tilespmem:s6], [sflag:$0x1] =	stream.linear.gather @!p0 [hbm4b:s3+s6], $0x4000, $0x38;
	[tilespmem:$0x18000] =	vst v63  }
0x12d: {  	s19 =	sand.u32 $0x380, s8;
	s3 =	sor.u32 s15, s18  }
0x12e: {  	s3 =	sor.u32 s19, s3  }
0x12f: {  	v0 =	vld [tilespmem:s3+$0x14070]  }
0x130: {  	v4 =	vld [tilespmem:s3+$0x14000]  }
0x131: {  	v5 =	vld [tilespmem:s3+$0x14010]  }
0x132: {  	v6 =	vld [tilespmem:s3+$0x14020]  }
0x133: {  	v2 =	vld [tilespmem:s3+$0x14030]  }
0x134: {  	v3 =	vld [tilespmem:s3+$0x14040]  }
0x135: {  	s6 =	sor.u32 $0x8070, s3;
	v1 =	vld [tilespmem:s3+$0x14060]  }
0x136: {  	[tilespmem:s6+$0x0] =	vst.add.f32.msk $0xffff, v0  }
0x137: {  	s21 =	sor.u32 $0x8000, s3;
	v0 =	vld [tilespmem:s3+$0x14050]  }
0x138: {  	s30 =	sor.u32 $0x8010, s3;
	[tilespmem:s21+$0x0] =	vst.add.f32.msk $0xffff, v4  }
0x139: {  	s14 =	sor.u32 $0x8020, s3;
	s13 =	sor.u32 $0x8030, s3;
	s11 =	sor.u32 $0x8040, s3;
	[tilespmem:s30+$0x0] =	vst.add.f32.msk $0xffff, v5  }
0x13a: {  	s7 =	sor.u32 $0x8060, s3;
	s6 =	sor.u32 $0x8050, s3;
	[tilespmem:s14+$0x0] =	vst.add.f32.msk $0xffff, v6;
	s3 =	simm.s32 $0x0  }
.LBB2_15:
0x13b: {  	s16 =	sadd.s32 $0x80, s16;
	[tilespmem:s13+$0x0] =	vst.add.f32.msk $0xffff, v2;
	s8 =	sadd.s32 $0x400, s8  }
0x13c: {  	s3 =	sadd.s32 $0x10, s3;
	s13 =	sand.u32 $0x2000, s16;
	s14 =	sand.u32 $0x1C00, s8;
	[tilespmem:s11+$0x0] =	vst.add.f32.msk $0xffff, v3  }
0x13d: {  	p1 =	slt.u32 s16, $0x3F80;
	s11 =	sor.u32 s13, s14;
	s13 =	sand.u32 $0x380, s3;
	[tilespmem:s6+$0x0] =	vst.add.f32.msk $0xffff, v0  }
0x13e: {  	s14 =	sor.u32 s13, s11;
	[tilespmem:s7+$0x0] =	vst.add.f32.msk $0xffff, v1  }
0x13f: {  	s15 =	sor.u32 $0x8000, s14;
	s18 =	sor.u32 $0x8010, s14;
	s19 =	sor.u32 $0x8020, s14;
	v0 =	vld [tilespmem:s14+$0x14070]  }
0x140: {  	s13 =	sor.u32 $0x8030, s14;
	s11 =	sor.u32 $0x8040, s14;
	s6 =	sor.u32 $0x8050, s14;
	v4 =	vld [tilespmem:s14+$0x14000]  }
0x141: {  	s7 =	sor.u32 $0x8060, s14;
	v5 =	vld [tilespmem:s14+$0x14010]  }
0x142: {  	v6 =	vld [tilespmem:s14+$0x14020]  }
0x143: {  	s21 =	sor.u32 $0x8070, s14;
	v2 =	vld [tilespmem:s14+$0x14030]  }
0x144: {  	[tilespmem:s21+$0x0] =	vst.add.f32.msk $0xffff, v0  }
0x145: {  	v3 =	vld [tilespmem:s14+$0x14040]  }
.Ltmp8:
0x146: {  	v0 =	vld [tilespmem:s14+$0x14050];
	(pc) =	sbr.rel @p1 .LBB2_15-.Ltmp8, $4  }
0x147: {  	v1 =	vld [tilespmem:s14+$0x14060]  }
0x148: {  	[tilespmem:s15+$0x0] =	vst.add.f32.msk $0xffff, v4  }
0x149: {  	[tilespmem:s18+$0x0] =	vst.add.f32.msk $0xffff, v5  }
0x14a: {  	[tilespmem:s19+$0x0] =	vst.add.f32.msk $0xffff, v6  }
0x14b: {  	[tilespmem:s13+$0x0] =	vst.add.f32.msk $0xffff, v2  }
0x14c: {  	[tilespmem:s11+$0x0] =	vst.add.f32.msk $0xffff, v3  }
0x14d: {  	[tilespmem:s6+$0x0] =	vst.add.f32.msk $0xffff, v0  }
0x14e: {  	s1 =	sadd.s32 s4, s1;
	[tilespmem:s7+$0x0] =	vst.add.f32.msk $0xffff, v1  }
0x14f: {  	[hbm4b:s1+s5] =	stream.linear.scatter [tilespmem:s22], [sflag:$0x7], $0x4000, $0x38;
	[tilespmem:$0x18000] =	vst v63  }
0x150: {  	_ =	swait.ge [sflag:s28], $0x4000  }
0x151: {  	[sflag:s28] =	ssyncset.done $0x0  }
0x152: {  	[sflag:s28] =	ssyncadd.s32 $0xFFFFC000  }
0x153: {  	_ =	swait.ge [sflag:s29], $0x4000  }
0x154: {  	s3 =	simm.s32 @!p0 $0x0;
	[sflag:s29] =	ssyncset.done $0x0;
	s1 =	rddreg [dreg:$0x9]  }
0x155: {  	s6 =	simm.s32 @!p0 $0x4000;
	[sflag:s29] =	ssyncadd.s32 $0xFFFFC000;
	s1 =	sadd.s32 @!p0 s10, s1  }
0x156: {  	[tilespmem:s6], [sflag:$0x2] =	stream.linear.gather @!p0 [hbm4b:s1+s3], $0x4000, $0x38;
	[tilespmem:$0x18000] =	vst v63  }
0x157: {  	s8 =	simm.s32 $0x0;
	s1 =	simm.s32 $0x0  }
0x158: {  	s15 =	sand.u32 $0x2000, s8;
	s16 =	sand.u32 $0x1C00, s1  }
0x159: {  	s18 =	sand.u32 $0x380, s1;
	s3 =	sor.u32 s15, s16  }
0x15a: {  	s3 =	sor.u32 s18, s3  }
0x15b: {  	v0 =	vld [tilespmem:s3+$0x14070]  }
0x15c: {  	v4 =	vld [tilespmem:s3+$0x14000]  }
0x15d: {  	v5 =	vld [tilespmem:s3+$0x14010]  }
0x15e: {  	v6 =	vld [tilespmem:s3+$0x14020]  }
0x15f: {  	v2 =	vld [tilespmem:s3+$0x14030]  }
0x160: {  	v3 =	vld [tilespmem:s3+$0x14040]  }
0x161: {  	s6 =	sor.u32 $0xC070, s3;
	v1 =	vld [tilespmem:s3+$0x14060]  }
0x162: {  	[tilespmem:s6+$0x0] =	vst.add.f32.msk $0xffff, v0  }
0x163: {  	s19 =	sor.u32 $0xC000, s3;
	v0 =	vld [tilespmem:s3+$0x14050]  }
0x164: {  	s21 =	sor.u32 $0xC010, s3;
	[tilespmem:s19+$0x0] =	vst.add.f32.msk $0xffff, v4  }
0x165: {  	s30 =	sor.u32 $0xC020, s3;
	s11 =	sor.u32 $0xC030, s3;
	s10 =	sor.u32 $0xC040, s3;
	[tilespmem:s21+$0x0] =	vst.add.f32.msk $0xffff, v5  }
0x166: {  	s7 =	sor.u32 $0xC060, s3;
	s6 =	sor.u32 $0xC050, s3;
	[tilespmem:s30+$0x0] =	vst.add.f32.msk $0xffff, v6;
	s3 =	simm.s32 $0x0  }
.LBB2_17:
0x167: {  	s8 =	sadd.s32 $0x80, s8;
	[tilespmem:s11+$0x0] =	vst.add.f32.msk $0xffff, v2;
	s1 =	sadd.s32 $0x400, s1  }
0x168: {  	s3 =	sadd.s32 $0x10, s3;
	s11 =	sand.u32 $0x2000, s8;
	s13 =	sand.u32 $0x1C00, s1;
	[tilespmem:s10+$0x0] =	vst.add.f32.msk $0xffff, v3  }
0x169: {  	p1 =	slt.u32 s8, $0x3F80;
	s10 =	sor.u32 s11, s13;
	s11 =	sand.u32 $0x380, s3;
	[tilespmem:s6+$0x0] =	vst.add.f32.msk $0xffff, v0  }
0x16a: {  	s13 =	sor.u32 s11, s10;
	[tilespmem:s7+$0x0] =	vst.add.f32.msk $0xffff, v1  }
0x16b: {  	s14 =	sor.u32 $0xC000, s13;
	s15 =	sor.u32 $0xC010, s13;
	s16 =	sor.u32 $0xC020, s13;
	v0 =	vld [tilespmem:s13+$0x14070]  }
0x16c: {  	s11 =	sor.u32 $0xC030, s13;
	s10 =	sor.u32 $0xC040, s13;
	s6 =	sor.u32 $0xC050, s13;
	v4 =	vld [tilespmem:s13+$0x14000]  }
0x16d: {  	s7 =	sor.u32 $0xC060, s13;
	v5 =	vld [tilespmem:s13+$0x14010]  }
0x16e: {  	v6 =	vld [tilespmem:s13+$0x14020]  }
0x16f: {  	s18 =	sor.u32 $0xC070, s13;
	v2 =	vld [tilespmem:s13+$0x14030]  }
0x170: {  	[tilespmem:s18+$0x0] =	vst.add.f32.msk $0xffff, v0  }
0x171: {  	v3 =	vld [tilespmem:s13+$0x14040]  }
.Ltmp9:
0x172: {  	v0 =	vld [tilespmem:s13+$0x14050];
	(pc) =	sbr.rel @p1 .LBB2_17-.Ltmp9, $4  }
0x173: {  	v1 =	vld [tilespmem:s13+$0x14060]  }
0x174: {  	[tilespmem:s14+$0x0] =	vst.add.f32.msk $0xffff, v4  }
0x175: {  	[tilespmem:s15+$0x0] =	vst.add.f32.msk $0xffff, v5  }
0x176: {  	[tilespmem:s16+$0x0] =	vst.add.f32.msk $0xffff, v6  }
.Ltmp10:
0x177: {  	[tilespmem:s11+$0x0] =	vst.add.f32.msk $0xffff, v2;
	(pc) =	sbr.rel @p0 .LBB2_20-.Ltmp10, $4  }
0x178: {  	[tilespmem:s10+$0x0] =	vst.add.f32.msk $0xffff, v3  }
0x179: {  	[tilespmem:s6+$0x0] =	vst.add.f32.msk $0xffff, v0  }
0x17a: {  	s1 =	sadd.s32 s4, s12;
	[tilespmem:s7+$0x0] =	vst.add.f32.msk $0xffff, v1  }
0x17b: {  	[hbm4b:s1+s5] =	stream.linear.scatter [tilespmem:s24], [sflag:$0x8], $0x4000, $0x38;
	[tilespmem:$0x18000] =	vst v63  }
.Ltmp11:
0x17c: {  	s1 =	rddreg [dreg:$0xd];
	(pc) =	sbr.rel .LBB2_2-.Ltmp11, $4  }
0x17d: {  	s1 =	sadd.s32 s9, s1  }
0x17e: {  	s3 =	rddreg [dreg:$0x1];
	s1 =	sshll.u32 s1, $0x7  }
0x17f: {  	s30 =	simm.s32 $0x14000;
	s17 =	sadd.s32 $0x1, s17;
	s1 =	sadd.s32 s3, s1  }
0x180: {  	[tilespmem:s30], [sflag:$0xA] =	stream.linear.gather [hbm4b:s1+s5], $0x4000, $0x38;
	[tilespmem:$0x18000] =	vst v63  }
.LBB2_21:
0x181: {  	_ =	sfence.sel $0x180000  }
0x182: {  	[bflag:$0x0] =	sbarrier.arrive $0xFFFF  }
0x183: {  	_ =	strace $0x90000047  }
0x184: {  	s0 =	stileid.u32;
	[bflag:$0x2] =	sbarrier.arrive $0xFFFF  }
0x185: {  	p0 =	sne.s32 s0, $0x0;
	s0 =	rddreg [dreg:$0x3]  }
0x186: {  	s0 =	sadd.s32 @!p0 $0x100000, s0  }
0x187: {  	[sflag:s0] =	ssyncadd.tile.s32 @!p0 $0x1;
	_ =	shalt  }
.Lfunc_end2:
_tile_overlayer_lowered:
.L_overlay_start_2:
0x188: {  	(tag) =	ssettag $0x2  }
0x189: {  	s0 =	rddreg [dreg:$0x0];
	s2 =	stileid.u32  }
0x18a: {  	s1 =	rddreg [dreg:$0x1];
	p0 =	sne.s32 s2, $0x0  }
0x18b: {  	s3 =	rddreg [dreg:$0x2];
	[bflag:$0x3] =	sbarrier.arrive $0xFFFF;
	s2 =	simm.s32 @!p0 $0x1C0B  }
0x18c: {  	[timem:s3], [sflag:s2] =	dma.local @!p0 [hbm:s0], s1  }
0x18d: {  	s0 =	simm.s32 @!p0 $0xB  }
0x18e: {  	_ =	swait.ge @!p0 [sflag:s0], s1  }
0x18f: {  	s1 =	ssub.s32 @!p0 $0x0, s1;
	[sflag:s0] =	ssyncset.done @!p0 $0x0  }
0x190: {  	[sflag:s0] =	ssyncadd.s32 @!p0 s1  }
0x191: {  	[bflag:$0x3] =	sbarrier.arrive $0xFFFF  }
0x192: {  	_ =	shalt  }

</sc_bundles>
